<compile_context>
chip_gen: v7x
topology: tpu7x:2x2x1
jax: 0.10.2.dev20260603
libtpu: 0.0.44.dev20260713+nightly
codegen_flags: <defaults>
</compile_context>

<pallas_src>
import functools

import jax
import jax.numpy as jnp
from jax import lax
from jax.experimental import pallas as pl
from jax.experimental.pallas import tpu as pltpu
from jax.experimental.pallas import tpu_sc as plsc

_LANES = 128


def _make_gather(B, V, D, NC, NS):
    NW = NC * NS
    b_per_w = B // NW
    CHUNK = 64
    n_steps = b_per_w // CHUNK
    G = 64
    n_g = CHUNK // G
    NBUF = 8
    assert b_per_w % CHUNK == 0 and CHUNK % G == 0 and n_steps > NBUF

    mesh = plsc.VectorSubcoreMesh(core_axis_name="c", subcore_axis_name="s")

    @functools.partial(
        pl.kernel,
        mesh=mesh,
        out_type=jax.ShapeDtypeStruct((B * D,), jnp.float32),
        scratch_types=[
            pltpu.VMEM((b_per_w,), jnp.int32),
            pltpu.VMEM((NBUF, CHUNK, _LANES), jnp.float32),
            [pltpu.VMEM((CHUNK * D,), jnp.float32)] * NBUF,
            [pltpu.SemaphoreType.DMA] * NBUF,
            [pltpu.SemaphoreType.DMA] * NBUF,
        ],
        compiler_params=pltpu.CompilerParams(needs_layout_passes=False),
    )
    def gather_kernel(idx_hbm, tab_hbm, out_hbm, idx_v, rows_v, comp_v,
                      gsems, osems):
        wid = lax.axis_index("s") * NC + lax.axis_index("c")
        base = wid * b_per_w

        pltpu.sync_copy(idx_hbm.at[pl.ds(base, b_per_w)], idx_v)

        def fire(step, slot):
            for j in range(n_g):
                pltpu.async_copy(
                    tab_hbm.at[idx_v.at[pl.ds(step * CHUNK + j * G, G)]],
                    rows_v.at[slot, pl.ds(j * G, G)],
                    gsems[slot],
                )

        def drain_gathers(step, slot):
            for j in range(n_g):
                pltpu.make_async_copy(
                    tab_hbm.at[idx_v.at[pl.ds(step * CHUNK + j * G, G)]],
                    rows_v.at[slot, pl.ds(j * G, G)],
                    gsems[slot],
                ).wait()

        lane = lax.iota(jnp.int32, 16)
        nk = (D + 15) // 16

        def compact(slot):
            def cbody(r, carry):
                for k in range(nk):
                    vals = rows_v[slot, r, pl.ds(k * 16, 16)]
                    dest = r * D + k * 16 + lane
                    if (k + 1) * 16 <= D:
                        plsc.store_scatter(comp_v[slot], [dest], vals)
                    else:
                        plsc.store_scatter(comp_v[slot], [dest], vals,
                                           mask=lane < (D - k * 16))
                return carry
            lax.fori_loop(0, CHUNK, cbody, 0)

        def fire_write(step, slot):
            off = (base + step * CHUNK) * D
            pltpu.async_copy(comp_v[slot],
                             out_hbm.at[pl.ds(off, CHUNK * D)], osems[slot])

        def wait_write(step, slot):
            off = (base + step * CHUNK) * D
            pltpu.make_async_copy(comp_v[slot],
                                  out_hbm.at[pl.ds(off, CHUNK * D)],
                                  osems[slot]).wait()

        for s in range(NBUF - 1):
            fire(s, s)

        def body(i, carry):
            s_cur = lax.rem(i, NBUF)
            s_pre = lax.rem(i + NBUF - 1, NBUF)
            for s in range(NBUF):
                @pl.when(s_cur == s)
                def _():
                    drain_gathers(i, s)
                    compact(s)
                    fire_write(i, s)

                @pl.when(jnp.logical_and(s_pre == s, i + NBUF - 1 < n_steps))
                def _():
                    @pl.when(i >= 1)
                    def _():
                        wait_write(i - 1, s)
                    fire(i + NBUF - 1, s)
            return carry

        lax.fori_loop(0, n_steps, body, 0)

        for k in range(NBUF):
            step = n_steps - NBUF + k
            wait_write(step, step % NBUF)

    return gather_kernel


def kernel(x, table):
    Bb, S = x.shape
    V, D = table.shape
    B = Bb * S
    info = plsc.get_sparse_core_info()
    gather = _make_gather(B, V, D, info.num_cores, info.num_subcores)
    tab_pad = jnp.pad(table, ((0, 0), (0, _LANES - D)))
    out = gather(x.reshape(B), tab_pad)
    return out.reshape(Bb, S, D)

# --- scband reference (transcript-rebuilt; emitter-appended) ---
"""Pipeline reference for scband-glove-64965675319411 (READ-ONLY COPY).

The authoritative reference and input builder live on the scoring server;
editing this copy changes nothing except your own understanding.
"""

import jax, jax.numpy as jnp
import numpy as np

VOCAB = 400000
DIM = 50

def setup_inputs(seed: int = 0) -> dict:
    key = jax.random.key(seed)
    k1, k2 = jax.random.split(key)
    x = jax.random.randint(k1, (4096, 200), 0, VOCAB, dtype=jnp.int64 if jax.config.jax_enable_x64 else jnp.int32)
    table = jax.random.normal(k2, (VOCAB, DIM), dtype=jnp.float32)
    return {"x": x, "table": table}

def reference(x, table):
    # Glove.forward: self.emb(x) -> embedding lookup (gather rows)
    return jnp.take(table, x, axis=0)

if __name__ == "__main__":
    import jax
    _d = setup_inputs()
    print(jax.jit(kernel)(*tuple(_d.values())))

</pallas_src>

<mosaic_0001>
#map = affine_map<(d0, d1) -> (0)>
#map1 = affine_map<(d0, d1) -> (0, 0)>
module attributes {stable_mosaic.version = 14 : i64} {
  func.func @gather_kernel(%arg0: i32, %arg1: i32, %arg2: memref<819200xi32, #tpu.memory_space<hbm>>, %arg3: memref<400000x128xf32, #tpu.memory_space<hbm>>, %arg4: memref<40960000xf32, #tpu.memory_space<hbm>>, %arg5: memref<25600xi32, #tpu.memory_space<vmem>>, %arg6: memref<8x64x128xf32, #tpu.memory_space<vmem>>, %arg7: memref<3200xf32, #tpu.memory_space<vmem>>, %arg8: memref<3200xf32, #tpu.memory_space<vmem>>, %arg9: memref<3200xf32, #tpu.memory_space<vmem>>, %arg10: memref<3200xf32, #tpu.memory_space<vmem>>, %arg11: memref<3200xf32, #tpu.memory_space<vmem>>, %arg12: memref<3200xf32, #tpu.memory_space<vmem>>, %arg13: memref<3200xf32, #tpu.memory_space<vmem>>, %arg14: memref<3200xf32, #tpu.memory_space<vmem>>, %arg15: memref<!tpu.dma_semaphore, #tpu.memory_space<semaphore_mem>>, %arg16: memref<!tpu.dma_semaphore, #tpu.memory_space<semaphore_mem>>, %arg17: memref<!tpu.dma_semaphore, #tpu.memory_space<semaphore_mem>>, %arg18: memref<!tpu.dma_semaphore, #tpu.memory_space<semaphore_mem>>, %arg19: memref<!tpu.dma_semaphore, #tpu.memory_space<semaphore_mem>>, %arg20: memref<!tpu.dma_semaphore, #tpu.memory_space<semaphore_mem>>, %arg21: memref<!tpu.dma_semaphore, #tpu.memory_space<semaphore_mem>>, %arg22: memref<!tpu.dma_semaphore, #tpu.memory_space<semaphore_mem>>, %arg23: memref<!tpu.dma_semaphore, #tpu.memory_space<semaphore_mem>>, %arg24: memref<!tpu.dma_semaphore, #tpu.memory_space<semaphore_mem>>, %arg25: memref<!tpu.dma_semaphore, #tpu.memory_space<semaphore_mem>>, %arg26: memref<!tpu.dma_semaphore, #tpu.memory_space<semaphore_mem>>, %arg27: memref<!tpu.dma_semaphore, #tpu.memory_space<semaphore_mem>>, %arg28: memref<!tpu.dma_semaphore, #tpu.memory_space<semaphore_mem>>, %arg29: memref<!tpu.dma_semaphore, #tpu.memory_space<semaphore_mem>>, %arg30: memref<!tpu.dma_semaphore, #tpu.memory_space<semaphore_mem>>) attributes {dimension_semantics = [#tpu.dimension_semantics<core_parallel>, #tpu.dimension_semantics<subcore_parallel>], iteration_bounds = array<i64: 2, 16>, scalar_prefetch = 0 : i64, scratch_operands = 26 : i64, tpu.core_type = #tpu.core_type<sc_vector_subcore>, window_params = [{transform_indices = #map}, {transform_indices = #map1}, {transform_indices = #map}]} {
    %mul3A = arith.constant 2 : i32
    %mul3A_0 = arith.muli %arg1, %mul3A : i32
    %add3A = arith.addi %mul3A_0, %arg0 : i32
    %mul3A_1 = arith.constant 25600 : i32
    %mul3A_2 = arith.muli %add3A, %mul3A_1 : i32
    "tpu.region"() ({
      %run_scoped3A = tpu.sem_alloc : memref<!tpu.dma_semaphore, #tpu.memory_space<semaphore_mem>>
      %dma_start3A_124 = tpu.memref_slice %arg2[%mul3A_2] : memref<819200xi32, #tpu.memory_space<hbm>> -> memref<25600xi32, #tpu.memory_space<hbm>>
      %dma_start3A_125 = tpu.memref_slice %arg2[%mul3A_2] : memref<819200xi32, #tpu.memory_space<hbm>> -> memref<25600xi32, #tpu.memory_space<hbm>>
      tpu.enqueue_dma source(%dma_start3A_125 : memref<25600xi32, #tpu.memory_space<hbm>>) target(%arg5 : memref<25600xi32, #tpu.memory_space<vmem>>) target_semaphore(%run_scoped3A : memref<!tpu.dma_semaphore, #tpu.memory_space<semaphore_mem>>)
      %dma_wait3A_126 = tpu.memref_slice %arg2[%mul3A_2] : memref<819200xi32, #tpu.memory_space<hbm>> -> memref<25600xi32, #tpu.memory_space<hbm>>
      %dma_wait3A_127 = tpu.memref_slice %arg2[%mul3A_2] : memref<819200xi32, #tpu.memory_space<hbm>> -> memref<25600xi32, #tpu.memory_space<hbm>>
      tpu.wait_dma2 semaphore(%run_scoped3A : memref<!tpu.dma_semaphore, #tpu.memory_space<semaphore_mem>>) src(%dma_wait3A_127 : memref<25600xi32, #tpu.memory_space<hbm>>) dst(%arg5 : memref<25600xi32, #tpu.memory_space<vmem>>)
      tpu.yield
    }) : () -> ()
    %iota3A = tpu.iota {dimensions = array<i32: 0>} : vector<16xi32>
    %dma_start3A = arith.constant 0 : i32
    %dma_start3A_3 = arith.constant 0 : i32
    %dma_start3A_4 = arith.constant 0 : i32
    %dma_start3A_5 = tpu.memref_slice %arg6[%dma_start3A, %dma_start3A_3, %dma_start3A_4] : memref<8x64x128xf32, #tpu.memory_space<vmem>> -> memref<1x64x128xf32, #tpu.memory_space<vmem>>
    %dma_start3A_6 = tpu.memref_squeeze %dma_start3A_5 : memref<1x64x128xf32, #tpu.memory_space<vmem>> -> memref<64x128xf32, #tpu.memory_space<vmem>>
    %dma_start3A_7 = arith.constant 0 : i32
    %dma_start3A_8 = tpu.memref_slice %arg5[%dma_start3A_7] : memref<25600xi32, #tpu.memory_space<vmem>> -> memref<64xi32, #tpu.memory_space<vmem>>
    %dma_start3A_9 = arith.constant 0 : i32
    %dma_start3A_10 = arith.constant 0 : i32
    %dma_start3A_11 = tpu.memref_slice %arg3[%dma_start3A_9, %dma_start3A_10] : memref<400000x128xf32, #tpu.memory_space<hbm>> -> memref<400000x128xf32, #tpu.memory_space<hbm>>
    tpu.enqueue_indirect_dma source(%dma_start3A_11 : memref<400000x128xf32, #tpu.memory_space<hbm>>) target(%dma_start3A_6 : memref<64x128xf32, #tpu.memory_space<vmem>>) offsets(%dma_start3A_8 : memref<64xi32, #tpu.memory_space<vmem>>) semaphore(%arg15 : memref<!tpu.dma_semaphore, #tpu.memory_space<semaphore_mem>>)
    %dma_start3A_12 = arith.constant 1 : i32
    %dma_start3A_13 = arith.constant 0 : i32
    %dma_start3A_14 = arith.constant 0 : i32
    %dma_start3A_15 = tpu.memref_slice %arg6[%dma_start3A_12, %dma_start3A_13, %dma_start3A_14] : memref<8x64x128xf32, #tpu.memory_space<vmem>> -> memref<1x64x128xf32, #tpu.memory_space<vmem>>
    %dma_start3A_16 = tpu.memref_squeeze %dma_start3A_15 : memref<1x64x128xf32, #tpu.memory_space<vmem>> -> memref<64x128xf32, #tpu.memory_space<vmem>>
    %dma_start3A_17 = arith.constant 64 : i32
    %dma_start3A_18 = tpu.memref_slice %arg5[%dma_start3A_17] : memref<25600xi32, #tpu.memory_space<vmem>> -> memref<64xi32, #tpu.memory_space<vmem>>
    %dma_start3A_19 = arith.constant 0 : i32
    %dma_start3A_20 = arith.constant 0 : i32
    %dma_start3A_21 = tpu.memref_slice %arg3[%dma_start3A_19, %dma_start3A_20] : memref<400000x128xf32, #tpu.memory_space<hbm>> -> memref<400000x128xf32, #tpu.memory_space<hbm>>
    tpu.enqueue_indirect_dma source(%dma_start3A_21 : memref<400000x128xf32, #tpu.memory_space<hbm>>) target(%dma_start3A_16 : memref<64x128xf32, #tpu.memory_space<vmem>>) offsets(%dma_start3A_18 : memref<64xi32, #tpu.memory_space<vmem>>) semaphore(%arg16 : memref<!tpu.dma_semaphore, #tpu.memory_space<semaphore_mem>>)
    %dma_start3A_22 = arith.constant 2 : i32
    %dma_start3A_23 = arith.constant 0 : i32
    %dma_start3A_24 = arith.constant 0 : i32
    %dma_start3A_25 = tpu.memref_slice %arg6[%dma_start3A_22, %dma_start3A_23, %dma_start3A_24] : memref<8x64x128xf32, #tpu.memory_space<vmem>> -> memref<1x64x128xf32, #tpu.memory_space<vmem>>
    %dma_start3A_26 = tpu.memref_squeeze %dma_start3A_25 : memref<1x64x128xf32, #tpu.memory_space<vmem>> -> memref<64x128xf32, #tpu.memory_space<vmem>>
    %dma_start3A_27 = arith.constant 128 : i32
    %dma_start3A_28 = tpu.memref_slice %arg5[%dma_start3A_27] : memref<25600xi32, #tpu.memory_space<vmem>> -> memref<64xi32, #tpu.memory_space<vmem>>
    %dma_start3A_29 = arith.constant 0 : i32
    %dma_start3A_30 = arith.constant 0 : i32
    %dma_start3A_31 = tpu.memref_slice %arg3[%dma_start3A_29, %dma_start3A_30] : memref<400000x128xf32, #tpu.memory_space<hbm>> -> memref<400000x128xf32, #tpu.memory_space<hbm>>
    tpu.enqueue_indirect_dma source(%dma_start3A_31 : memref<400000x128xf32, #tpu.memory_space<hbm>>) target(%dma_start3A_26 : memref<64x128xf32, #tpu.memory_space<vmem>>) offsets(%dma_start3A_28 : memref<64xi32, #tpu.memory_space<vmem>>) semaphore(%arg17 : memref<!tpu.dma_semaphore, #tpu.memory_space<semaphore_mem>>)
    %dma_start3A_32 = arith.constant 3 : i32
    %dma_start3A_33 = arith.constant 0 : i32
    %dma_start3A_34 = arith.constant 0 : i32
    %dma_start3A_35 = tpu.memref_slice %arg6[%dma_start3A_32, %dma_start3A_33, %dma_start3A_34] : memref<8x64x128xf32, #tpu.memory_space<vmem>> -> memref<1x64x128xf32, #tpu.memory_space<vmem>>
    %dma_start3A_36 = tpu.memref_squeeze %dma_start3A_35 : memref<1x64x128xf32, #tpu.memory_space<vmem>> -> memref<64x128xf32, #tpu.memory_space<vmem>>
    %dma_start3A_37 = arith.constant 192 : i32
    %dma_start3A_38 = tpu.memref_slice %arg5[%dma_start3A_37] : memref<25600xi32, #tpu.memory_space<vmem>> -> memref<64xi32, #tpu.memory_space<vmem>>
    %dma_start3A_39 = arith.constant 0 : i32
    %dma_start3A_40 = arith.constant 0 : i32
    %dma_start3A_41 = tpu.memref_slice %arg3[%dma_start3A_39, %dma_start3A_40] : memref<400000x128xf32, #tpu.memory_space<hbm>> -> memref<400000x128xf32, #tpu.memory_space<hbm>>
    tpu.enqueue_indirect_dma source(%dma_start3A_41 : memref<400000x128xf32, #tpu.memory_space<hbm>>) target(%dma_start3A_36 : memref<64x128xf32, #tpu.memory_space<vmem>>) offsets(%dma_start3A_38 : memref<64xi32, #tpu.memory_space<vmem>>) semaphore(%arg18 : memref<!tpu.dma_semaphore, #tpu.memory_space<semaphore_mem>>)
    %dma_start3A_42 = arith.constant 4 : i32
    %dma_start3A_43 = arith.constant 0 : i32
    %dma_start3A_44 = arith.constant 0 : i32
    %dma_start3A_45 = tpu.memref_slice %arg6[%dma_start3A_42, %dma_start3A_43, %dma_start3A_44] : memref<8x64x128xf32, #tpu.memory_space<vmem>> -> memref<1x64x128xf32, #tpu.memory_space<vmem>>
    %dma_start3A_46 = tpu.memref_squeeze %dma_start3A_45 : memref<1x64x128xf32, #tpu.memory_space<vmem>> -> memref<64x128xf32, #tpu.memory_space<vmem>>
    %dma_start3A_47 = arith.constant 256 : i32
    %dma_start3A_48 = tpu.memref_slice %arg5[%dma_start3A_47] : memref<25600xi32, #tpu.memory_space<vmem>> -> memref<64xi32, #tpu.memory_space<vmem>>
    %dma_start3A_49 = arith.constant 0 : i32
    %dma_start3A_50 = arith.constant 0 : i32
    %dma_start3A_51 = tpu.memref_slice %arg3[%dma_start3A_49, %dma_start3A_50] : memref<400000x128xf32, #tpu.memory_space<hbm>> -> memref<400000x128xf32, #tpu.memory_space<hbm>>
    tpu.enqueue_indirect_dma source(%dma_start3A_51 : memref<400000x128xf32, #tpu.memory_space<hbm>>) target(%dma_start3A_46 : memref<64x128xf32, #tpu.memory_space<vmem>>) offsets(%dma_start3A_48 : memref<64xi32, #tpu.memory_space<vmem>>) semaphore(%arg19 : memref<!tpu.dma_semaphore, #tpu.memory_space<semaphore_mem>>)
    %dma_start3A_52 = arith.constant 5 : i32
    %dma_start3A_53 = arith.constant 0 : i32
    %dma_start3A_54 = arith.constant 0 : i32
    %dma_start3A_55 = tpu.memref_slice %arg6[%dma_start3A_52, %dma_start3A_53, %dma_start3A_54] : memref<8x64x128xf32, #tpu.memory_space<vmem>> -> memref<1x64x128xf32, #tpu.memory_space<vmem>>
    %dma_start3A_56 = tpu.memref_squeeze %dma_start3A_55 : memref<1x64x128xf32, #tpu.memory_space<vmem>> -> memref<64x128xf32, #tpu.memory_space<vmem>>
    %dma_start3A_57 = arith.constant 320 : i32
    %dma_start3A_58 = tpu.memref_slice %arg5[%dma_start3A_57] : memref<25600xi32, #tpu.memory_space<vmem>> -> memref<64xi32, #tpu.memory_space<vmem>>
    %dma_start3A_59 = arith.constant 0 : i32
    %dma_start3A_60 = arith.constant 0 : i32
    %dma_start3A_61 = tpu.memref_slice %arg3[%dma_start3A_59, %dma_start3A_60] : memref<400000x128xf32, #tpu.memory_space<hbm>> -> memref<400000x128xf32, #tpu.memory_space<hbm>>
    tpu.enqueue_indirect_dma source(%dma_start3A_61 : memref<400000x128xf32, #tpu.memory_space<hbm>>) target(%dma_start3A_56 : memref<64x128xf32, #tpu.memory_space<vmem>>) offsets(%dma_start3A_58 : memref<64xi32, #tpu.memory_space<vmem>>) semaphore(%arg20 : memref<!tpu.dma_semaphore, #tpu.memory_space<semaphore_mem>>)
    %dma_start3A_62 = arith.constant 6 : i32
    %dma_start3A_63 = arith.constant 0 : i32
    %dma_start3A_64 = arith.constant 0 : i32
    %dma_start3A_65 = tpu.memref_slice %arg6[%dma_start3A_62, %dma_start3A_63, %dma_start3A_64] : memref<8x64x128xf32, #tpu.memory_space<vmem>> -> memref<1x64x128xf32, #tpu.memory_space<vmem>>
    %dma_start3A_66 = tpu.memref_squeeze %dma_start3A_65 : memref<1x64x128xf32, #tpu.memory_space<vmem>> -> memref<64x128xf32, #tpu.memory_space<vmem>>
    %dma_start3A_67 = arith.constant 384 : i32
    %dma_start3A_68 = tpu.memref_slice %arg5[%dma_start3A_67] : memref<25600xi32, #tpu.memory_space<vmem>> -> memref<64xi32, #tpu.memory_space<vmem>>
    %dma_start3A_69 = arith.constant 0 : i32
    %dma_start3A_70 = arith.constant 0 : i32
    %dma_start3A_71 = tpu.memref_slice %arg3[%dma_start3A_69, %dma_start3A_70] : memref<400000x128xf32, #tpu.memory_space<hbm>> -> memref<400000x128xf32, #tpu.memory_space<hbm>>
    tpu.enqueue_indirect_dma source(%dma_start3A_71 : memref<400000x128xf32, #tpu.memory_space<hbm>>) target(%dma_start3A_66 : memref<64x128xf32, #tpu.memory_space<vmem>>) offsets(%dma_start3A_68 : memref<64xi32, #tpu.memory_space<vmem>>) semaphore(%arg21 : memref<!tpu.dma_semaphore, #tpu.memory_space<semaphore_mem>>)
    %scan3A = arith.constant 0 : i32
    %scan3A_72 = arith.constant 0 : i32
    %scan3A_73 = arith.constant 400 : i32
    %scan3A_74 = arith.addi %scan3A_72, %scan3A_73 : i32
    %scan3A_75 = arith.constant 1 : i32
    scf.for %scan3A_124 = %scan3A_72 to %scan3A_74 step %scan3A_75  : i32 {
      %rem3A = arith.constant 8 : i32
      %rem3A_125 = arith.remsi %scan3A_124, %rem3A : i32
      %add3A_126 = arith.constant 8 : i32
      %add3A_127 = arith.addi %scan3A_124, %add3A_126 : i32
      %sub3A = arith.constant 1 : i32
      %sub3A_128 = arith.subi %add3A_127, %sub3A : i32
      %rem3A_129 = arith.constant 8 : i32
      %rem3A_130 = arith.remsi %sub3A_128, %rem3A_129 : i32
      %eq3A = arith.constant 0 : i32
      %eq3A_131 = arith.cmpi eq, %rem3A_125, %eq3A : i32
      %convert_element_type3A = arith.extui %eq3A_131 : i1 to i32
      %cond3A = arith.constant 0 : i32
      %cond3A_132 = arith.cmpi ne, %convert_element_type3A, %cond3A : i32
      scf.if %cond3A_132 {
        %mul3A_262 = arith.constant 64 : i32
        %mul3A_263 = arith.muli %scan3A_124, %mul3A_262 : i32
        %add3A_264 = arith.constant 0 : i32
        %add3A_265 = arith.addi %mul3A_263, %add3A_264 : i32
        %dma_wait3A_266 = arith.constant 0 : i32
        %dma_wait3A_267 = arith.constant 0 : i32
        %dma_wait3A_268 = arith.constant 0 : i32
        %dma_wait3A_269 = tpu.memref_slice %arg6[%dma_wait3A_266, %dma_wait3A_267, %dma_wait3A_268] : memref<8x64x128xf32, #tpu.memory_space<vmem>> -> memref<1x64x128xf32, #tpu.memory_space<vmem>>
        %dma_wait3A_270 = tpu.memref_squeeze %dma_wait3A_269 : memref<1x64x128xf32, #tpu.memory_space<vmem>> -> memref<64x128xf32, #tpu.memory_space<vmem>>
        %dma_wait3A_271 = tpu.memref_slice %arg5[%add3A_265] : memref<25600xi32, #tpu.memory_space<vmem>> -> memref<64xi32, #tpu.memory_space<vmem>>
        %dma_wait3A_272 = arith.constant 0 : i32
        %dma_wait3A_273 = arith.constant 0 : i32
        %dma_wait3A_274 = tpu.memref_slice %arg3[%dma_wait3A_272, %dma_wait3A_273] : memref<400000x128xf32, #tpu.memory_space<hbm>> -> memref<400000x128xf32, #tpu.memory_space<hbm>>
        tpu.wait_indirect_dma semaphore(%arg15 : memref<!tpu.dma_semaphore, #tpu.memory_space<semaphore_mem>>) src(%dma_wait3A_274 : memref<400000x128xf32, #tpu.memory_space<hbm>>) dst(%dma_wait3A_270 : memref<64x128xf32, #tpu.memory_space<vmem>>)
        %scan3A_275 = arith.constant 0 : i32
        %scan3A_276 = arith.constant 0 : i32
        %scan3A_277 = arith.constant 64 : i32
        %scan3A_278 = arith.addi %scan3A_276, %scan3A_277 : i32
        %scan3A_279 = arith.constant 1 : i32
        scf.for %scan3A_288 = %scan3A_276 to %scan3A_278 step %scan3A_279  : i32 {
          %get3A = arith.constant 0 : i32
          %get3A_289 = arith.index_cast %get3A : i32 to index
          %get3A_290 = arith.index_cast %scan3A_288 : i32 to index
          %get3A_291 = arith.constant 0 : index
          %get3A_292 = tpu.vector_load %arg6[%get3A_289, %get3A_290, %get3A_291] {strides = array<i32>} : memref<8x64x128xf32, #tpu.memory_space<vmem>>, vector<16xf32>,
          %mul3A_293 = arith.constant 50 : i32
          %mul3A_294 = arith.muli %scan3A_288, %mul3A_293 : i32
          %add3A_295 = arith.constant 0 : i32
          %add3A_296 = arith.addi %mul3A_294, %add3A_295 : i32
          %add3A_297 = vector.broadcast %add3A_296 : i32 to vector<16xi32>
          %add3A_298 = arith.addi %add3A_297, %iota3A : vector<16xi32>
          tpu.vector_store_idx %arg7[%add3A_298], %get3A_292 : memref<3200xf32, #tpu.memory_space<vmem>>[vector<16xi32>], vector<16xf32>,
          %get3A_299 = arith.constant 0 : i32
          %get3A_300 = arith.index_cast %get3A_299 : i32 to index
          %get3A_301 = arith.index_cast %scan3A_288 : i32 to index
          %get3A_302 = arith.constant 16 : index
          %get3A_303 = tpu.vector_load %arg6[%get3A_300, %get3A_301, %get3A_302] {strides = array<i32>} : memref<8x64x128xf32, #tpu.memory_space<vmem>>, vector<16xf32>,
          %mul3A_304 = arith.constant 50 : i32
          %mul3A_305 = arith.muli %scan3A_288, %mul3A_304 : i32
          %add3A_306 = arith.constant 16 : i32
          %add3A_307 = arith.addi %mul3A_305, %add3A_306 : i32
          %add3A_308 = vector.broadcast %add3A_307 : i32 to vector<16xi32>
          %add3A_309 = arith.addi %add3A_308, %iota3A : vector<16xi32>
          tpu.vector_store_idx %arg7[%add3A_309], %get3A_303 : memref<3200xf32, #tpu.memory_space<vmem>>[vector<16xi32>], vector<16xf32>,
          %get3A_310 = arith.constant 0 : i32
          %get3A_311 = arith.index_cast %get3A_310 : i32 to index
          %get3A_312 = arith.index_cast %scan3A_288 : i32 to index
          %get3A_313 = arith.constant 32 : index
          %get3A_314 = tpu.vector_load %arg6[%get3A_311, %get3A_312, %get3A_313] {strides = array<i32>} : memref<8x64x128xf32, #tpu.memory_space<vmem>>, vector<16xf32>,
          %mul3A_315 = arith.constant 50 : i32
          %mul3A_316 = arith.muli %scan3A_288, %mul3A_315 : i32
          %add3A_317 = arith.constant 32 : i32
          %add3A_318 = arith.addi %mul3A_316, %add3A_317 : i32
          %add3A_319 = vector.broadcast %add3A_318 : i32 to vector<16xi32>
          %add3A_320 = arith.addi %add3A_319, %iota3A : vector<16xi32>
          tpu.vector_store_idx %arg7[%add3A_320], %get3A_314 : memref<3200xf32, #tpu.memory_space<vmem>>[vector<16xi32>], vector<16xf32>,
          %get3A_321 = arith.constant 0 : i32
          %get3A_322 = arith.index_cast %get3A_321 : i32 to index
          %get3A_323 = arith.index_cast %scan3A_288 : i32 to index
          %get3A_324 = arith.constant 48 : index
          %get3A_325 = tpu.vector_load %arg6[%get3A_322, %get3A_323, %get3A_324] {strides = array<i32>} : memref<8x64x128xf32, #tpu.memory_space<vmem>>, vector<16xf32>,
          %mul3A_326 = arith.constant 50 : i32
          %mul3A_327 = arith.muli %scan3A_288, %mul3A_326 : i32
          %add3A_328 = arith.constant 48 : i32
          %add3A_329 = arith.addi %mul3A_327, %add3A_328 : i32
          %add3A_330 = vector.broadcast %add3A_329 : i32 to vector<16xi32>
          %add3A_331 = arith.addi %add3A_330, %iota3A : vector<16xi32>
          %lt3A_332 = arith.constant 2 : i32
          %lt3A_333 = vector.broadcast %lt3A_332 : i32 to vector<16xi32>
          %lt3A_334 = arith.cmpi slt, %iota3A, %lt3A_333 : vector<16xi32>
          tpu.vector_store_idx %arg7[%add3A_331], %get3A_325 masked %lt3A_334 : memref<3200xf32, #tpu.memory_space<vmem>>[vector<16xi32>], vector<16xf32>, vector<16xi1>
        }
        %scan3A_280 = arith.constant 64 : i32
        %mul3A_281 = arith.constant 64 : i32
        %mul3A_282 = arith.muli %scan3A_124, %mul3A_281 : i32
        %add3A_283 = arith.addi %mul3A_2, %mul3A_282 : i32
        %mul3A_284 = arith.constant 50 : i32
        %mul3A_285 = arith.muli %add3A_283, %mul3A_284 : i32
        %dma_start3A_286 = tpu.memref_slice %arg4[%mul3A_285] : memref<40960000xf32, #tpu.memory_space<hbm>> -> memref<3200xf32, #tpu.memory_space<hbm>>
        %dma_start3A_287 = tpu.memref_slice %arg4[%mul3A_285] : memref<40960000xf32, #tpu.memory_space<hbm>> -> memref<3200xf32, #tpu.memory_space<hbm>>
        tpu.enqueue_dma source(%arg7 : memref<3200xf32, #tpu.memory_space<vmem>>) target(%dma_start3A_287 : memref<3200xf32, #tpu.memory_space<hbm>>) target_semaphore(%arg23 : memref<!tpu.dma_semaphore, #tpu.memory_space<semaphore_mem>>)
      } else {
      }
      %eq3A_133 = arith.constant 0 : i32
      %eq3A_134 = arith.cmpi eq, %rem3A_130, %eq3A_133 : i32
      %add3A_135 = arith.constant 8 : i32
      %add3A_136 = arith.addi %scan3A_124, %add3A_135 : i32
      %sub3A_137 = arith.constant 1 : i32
      %sub3A_138 = arith.subi %add3A_136, %sub3A_137 : i32
      %lt3A = arith.constant 400 : i32
      %lt3A_139 = arith.cmpi slt, %sub3A_138, %lt3A : i32
      %and3A = arith.andi %eq3A_134, %lt3A_139 : i1
      %convert_element_type3A_140 = arith.extui %and3A : i1 to i32
      %cond3A_141 = arith.constant 0 : i32
      %cond3A_142 = arith.cmpi ne, %convert_element_type3A_140, %cond3A_141 : i32
      scf.if %cond3A_142 {
        %ge3A = arith.constant 1 : i32
        %ge3A_262 = arith.cmpi sge, %scan3A_124, %ge3A : i32
        %convert_element_type3A_263 = arith.extui %ge3A_262 : i1 to i32
        %cond3A_264 = arith.constant 0 : i32
        %cond3A_265 = arith.cmpi ne, %convert_element_type3A_263, %cond3A_264 : i32
        scf.if %cond3A_265 {
          %sub3A_283 = arith.constant 1 : i32
          %sub3A_284 = arith.subi %scan3A_124, %sub3A_283 : i32
          %mul3A_285 = arith.constant 64 : i32
          %mul3A_286 = arith.muli %sub3A_284, %mul3A_285 : i32
          %add3A_287 = arith.addi %mul3A_2, %mul3A_286 : i32
          %mul3A_288 = arith.constant 50 : i32
          %mul3A_289 = arith.muli %add3A_287, %mul3A_288 : i32
          %dma_wait3A_290 = tpu.memref_slice %arg4[%mul3A_289] : memref<40960000xf32, #tpu.memory_space<hbm>> -> memref<3200xf32, #tpu.memory_space<hbm>>
          %dma_wait3A_291 = tpu.memref_slice %arg4[%mul3A_289] : memref<40960000xf32, #tpu.memory_space<hbm>> -> memref<3200xf32, #tpu.memory_space<hbm>>
          tpu.wait_dma2 semaphore(%arg23 : memref<!tpu.dma_semaphore, #tpu.memory_space<semaphore_mem>>) src(%arg7 : memref<3200xf32, #tpu.memory_space<vmem>>) dst(%dma_wait3A_291 : memref<3200xf32, #tpu.memory_space<hbm>>)
        } else {
        }
        %add3A_266 = arith.constant 8 : i32
        %add3A_267 = arith.addi %scan3A_124, %add3A_266 : i32
        %sub3A_268 = arith.constant 1 : i32
        %sub3A_269 = arith.subi %add3A_267, %sub3A_268 : i32
        %mul3A_270 = arith.constant 64 : i32
        %mul3A_271 = arith.muli %sub3A_269, %mul3A_270 : i32
        %add3A_272 = arith.constant 0 : i32
        %add3A_273 = arith.addi %mul3A_271, %add3A_272 : i32
        %dma_start3A_274 = arith.constant 0 : i32
        %dma_start3A_275 = arith.constant 0 : i32
        %dma_start3A_276 = arith.constant 0 : i32
        %dma_start3A_277 = tpu.memref_slice %arg6[%dma_start3A_274, %dma_start3A_275, %dma_start3A_276] : memref<8x64x128xf32, #tpu.memory_space<vmem>> -> memref<1x64x128xf32, #tpu.memory_space<vmem>>
        %dma_start3A_278 = tpu.memref_squeeze %dma_start3A_277 : memref<1x64x128xf32, #tpu.memory_space<vmem>> -> memref<64x128xf32, #tpu.memory_space<vmem>>
        %dma_start3A_279 = tpu.memref_slice %arg5[%add3A_273] : memref<25600xi32, #tpu.memory_space<vmem>> -> memref<64xi32, #tpu.memory_space<vmem>>
        %dma_start3A_280 = arith.constant 0 : i32
        %dma_start3A_281 = arith.constant 0 : i32
        %dma_start3A_282 = tpu.memref_slice %arg3[%dma_start3A_280, %dma_start3A_281] : memref<400000x128xf32, #tpu.memory_space<hbm>> -> memref<400000x128xf32, #tpu.memory_space<hbm>>
        tpu.enqueue_indirect_dma source(%dma_start3A_282 : memref<400000x128xf32, #tpu.memory_space<hbm>>) target(%dma_start3A_278 : memref<64x128xf32, #tpu.memory_space<vmem>>) offsets(%dma_start3A_279 : memref<64xi32, #tpu.memory_space<vmem>>) semaphore(%arg15 : memref<!tpu.dma_semaphore, #tpu.memory_space<semaphore_mem>>)
      } else {
      }
      %eq3A_143 = arith.constant 1 : i32
      %eq3A_144 = arith.cmpi eq, %rem3A_125, %eq3A_143 : i32
      %convert_element_type3A_145 = arith.extui %eq3A_144 : i1 to i32
      %cond3A_146 = arith.constant 0 : i32
      %cond3A_147 = arith.cmpi ne, %convert_element_type3A_145, %cond3A_146 : i32
      scf.if %cond3A_147 {
        %mul3A_262 = arith.constant 64 : i32
        %mul3A_263 = arith.muli %scan3A_124, %mul3A_262 : i32
        %add3A_264 = arith.constant 0 : i32
        %add3A_265 = arith.addi %mul3A_263, %add3A_264 : i32
        %dma_wait3A_266 = arith.constant 1 : i32
        %dma_wait3A_267 = arith.constant 0 : i32
        %dma_wait3A_268 = arith.constant 0 : i32
        %dma_wait3A_269 = tpu.memref_slice %arg6[%dma_wait3A_266, %dma_wait3A_267, %dma_wait3A_268] : memref<8x64x128xf32, #tpu.memory_space<vmem>> -> memref<1x64x128xf32, #tpu.memory_space<vmem>>
        %dma_wait3A_270 = tpu.memref_squeeze %dma_wait3A_269 : memref<1x64x128xf32, #tpu.memory_space<vmem>> -> memref<64x128xf32, #tpu.memory_space<vmem>>
        %dma_wait3A_271 = tpu.memref_slice %arg5[%add3A_265] : memref<25600xi32, #tpu.memory_space<vmem>> -> memref<64xi32, #tpu.memory_space<vmem>>
        %dma_wait3A_272 = arith.constant 0 : i32
        %dma_wait3A_273 = arith.constant 0 : i32
        %dma_wait3A_274 = tpu.memref_slice %arg3[%dma_wait3A_272, %dma_wait3A_273] : memref<400000x128xf32, #tpu.memory_space<hbm>> -> memref<400000x128xf32, #tpu.memory_space<hbm>>
        tpu.wait_indirect_dma semaphore(%arg16 : memref<!tpu.dma_semaphore, #tpu.memory_space<semaphore_mem>>) src(%dma_wait3A_274 : memref<400000x128xf32, #tpu.memory_space<hbm>>) dst(%dma_wait3A_270 : memref<64x128xf32, #tpu.memory_space<vmem>>)
        %scan3A_275 = arith.constant 0 : i32
        %scan3A_276 = arith.constant 0 : i32
        %scan3A_277 = arith.constant 64 : i32
        %scan3A_278 = arith.addi %scan3A_276, %scan3A_277 : i32
        %scan3A_279 = arith.constant 1 : i32
        scf.for %scan3A_288 = %scan3A_276 to %scan3A_278 step %scan3A_279  : i32 {
          %get3A = arith.constant 1 : i32
          %get3A_289 = arith.index_cast %get3A : i32 to index
          %get3A_290 = arith.index_cast %scan3A_288 : i32 to index
          %get3A_291 = arith.constant 0 : index
          %get3A_292 = tpu.vector_load %arg6[%get3A_289, %get3A_290, %get3A_291] {strides = array<i32>} : memref<8x64x128xf32, #tpu.memory_space<vmem>>, vector<16xf32>,
          %mul3A_293 = arith.constant 50 : i32
          %mul3A_294 = arith.muli %scan3A_288, %mul3A_293 : i32
          %add3A_295 = arith.constant 0 : i32
          %add3A_296 = arith.addi %mul3A_294, %add3A_295 : i32
          %add3A_297 = vector.broadcast %add3A_296 : i32 to vector<16xi32>
          %add3A_298 = arith.addi %add3A_297, %iota3A : vector<16xi32>
          tpu.vector_store_idx %arg8[%add3A_298], %get3A_292 : memref<3200xf32, #tpu.memory_space<vmem>>[vector<16xi32>], vector<16xf32>,
          %get3A_299 = arith.constant 1 : i32
          %get3A_300 = arith.index_cast %get3A_299 : i32 to index
          %get3A_301 = arith.index_cast %scan3A_288 : i32 to index
          %get3A_302 = arith.constant 16 : index
          %get3A_303 = tpu.vector_load %arg6[%get3A_300, %get3A_301, %get3A_302] {strides = array<i32>} : memref<8x64x128xf32, #tpu.memory_space<vmem>>, vector<16xf32>,
          %mul3A_304 = arith.constant 50 : i32
          %mul3A_305 = arith.muli %scan3A_288, %mul3A_304 : i32
          %add3A_306 = arith.constant 16 : i32
          %add3A_307 = arith.addi %mul3A_305, %add3A_306 : i32
          %add3A_308 = vector.broadcast %add3A_307 : i32 to vector<16xi32>
          %add3A_309 = arith.addi %add3A_308, %iota3A : vector<16xi32>
          tpu.vector_store_idx %arg8[%add3A_309], %get3A_303 : memref<3200xf32, #tpu.memory_space<vmem>>[vector<16xi32>], vector<16xf32>,
          %get3A_310 = arith.constant 1 : i32
          %get3A_311 = arith.index_cast %get3A_310 : i32 to index
          %get3A_312 = arith.index_cast %scan3A_288 : i32 to index
          %get3A_313 = arith.constant 32 : index
          %get3A_314 = tpu.vector_load %arg6[%get3A_311, %get3A_312, %get3A_313] {strides = array<i32>} : memref<8x64x128xf32, #tpu.memory_space<vmem>>, vector<16xf32>,
          %mul3A_315 = arith.constant 50 : i32
          %mul3A_316 = arith.muli %scan3A_288, %mul3A_315 : i32
          %add3A_317 = arith.constant 32 : i32
          %add3A_318 = arith.addi %mul3A_316, %add3A_317 : i32
          %add3A_319 = vector.broadcast %add3A_318 : i32 to vector<16xi32>
          %add3A_320 = arith.addi %add3A_319, %iota3A : vector<16xi32>
          tpu.vector_store_idx %arg8[%add3A_320], %get3A_314 : memref<3200xf32, #tpu.memory_space<vmem>>[vector<16xi32>], vector<16xf32>,
          %get3A_321 = arith.constant 1 : i32
          %get3A_322 = arith.index_cast %get3A_321 : i32 to index
          %get3A_323 = arith.index_cast %scan3A_288 : i32 to index
          %get3A_324 = arith.constant 48 : index
          %get3A_325 = tpu.vector_load %arg6[%get3A_322, %get3A_323, %get3A_324] {strides = array<i32>} : memref<8x64x128xf32, #tpu.memory_space<vmem>>, vector<16xf32>,
          %mul3A_326 = arith.constant 50 : i32
          %mul3A_327 = arith.muli %scan3A_288, %mul3A_326 : i32
          %add3A_328 = arith.constant 48 : i32
          %add3A_329 = arith.addi %mul3A_327, %add3A_328 : i32
          %add3A_330 = vector.broadcast %add3A_329 : i32 to vector<16xi32>
          %add3A_331 = arith.addi %add3A_330, %iota3A : vector<16xi32>
          %lt3A_332 = arith.constant 2 : i32
          %lt3A_333 = vector.broadcast %lt3A_332 : i32 to vector<16xi32>
          %lt3A_334 = arith.cmpi slt, %iota3A, %lt3A_333 : vector<16xi32>
          tpu.vector_store_idx %arg8[%add3A_331], %get3A_325 masked %lt3A_334 : memref<3200xf32, #tpu.memory_space<vmem>>[vector<16xi32>], vector<16xf32>, vector<16xi1>
        }
        %scan3A_280 = arith.constant 64 : i32
        %mul3A_281 = arith.constant 64 : i32
        %mul3A_282 = arith.muli %scan3A_124, %mul3A_281 : i32
        %add3A_283 = arith.addi %mul3A_2, %mul3A_282 : i32
        %mul3A_284 = arith.constant 50 : i32
        %mul3A_285 = arith.muli %add3A_283, %mul3A_284 : i32
        %dma_start3A_286 = tpu.memref_slice %arg4[%mul3A_285] : memref<40960000xf32, #tpu.memory_space<hbm>> -> memref<3200xf32, #tpu.memory_space<hbm>>
        %dma_start3A_287 = tpu.memref_slice %arg4[%mul3A_285] : memref<40960000xf32, #tpu.memory_space<hbm>> -> memref<3200xf32, #tpu.memory_space<hbm>>
        tpu.enqueue_dma source(%arg8 : memref<3200xf32, #tpu.memory_space<vmem>>) target(%dma_start3A_287 : memref<3200xf32, #tpu.memory_space<hbm>>) target_semaphore(%arg24 : memref<!tpu.dma_semaphore, #tpu.memory_space<semaphore_mem>>)
      } else {
      }
      %eq3A_148 = arith.constant 1 : i32
      %eq3A_149 = arith.cmpi eq, %rem3A_130, %eq3A_148 : i32
      %add3A_150 = arith.constant 8 : i32
      %add3A_151 = arith.addi %scan3A_124, %add3A_150 : i32
      %sub3A_152 = arith.constant 1 : i32
      %sub3A_153 = arith.subi %add3A_151, %sub3A_152 : i32
      %lt3A_154 = arith.constant 400 : i32
      %lt3A_155 = arith.cmpi slt, %sub3A_153, %lt3A_154 : i32
      %and3A_156 = arith.andi %eq3A_149, %lt3A_155 : i1
      %convert_element_type3A_157 = arith.extui %and3A_156 : i1 to i32
      %cond3A_158 = arith.constant 0 : i32
      %cond3A_159 = arith.cmpi ne, %convert_element_type3A_157, %cond3A_158 : i32
      scf.if %cond3A_159 {
        %ge3A = arith.constant 1 : i32
        %ge3A_262 = arith.cmpi sge, %scan3A_124, %ge3A : i32
        %convert_element_type3A_263 = arith.extui %ge3A_262 : i1 to i32
        %cond3A_264 = arith.constant 0 : i32
        %cond3A_265 = arith.cmpi ne, %convert_element_type3A_263, %cond3A_264 : i32
        scf.if %cond3A_265 {
          %sub3A_283 = arith.constant 1 : i32
          %sub3A_284 = arith.subi %scan3A_124, %sub3A_283 : i32
          %mul3A_285 = arith.constant 64 : i32
          %mul3A_286 = arith.muli %sub3A_284, %mul3A_285 : i32
          %add3A_287 = arith.addi %mul3A_2, %mul3A_286 : i32
          %mul3A_288 = arith.constant 50 : i32
          %mul3A_289 = arith.muli %add3A_287, %mul3A_288 : i32
          %dma_wait3A_290 = tpu.memref_slice %arg4[%mul3A_289] : memref<40960000xf32, #tpu.memory_space<hbm>> -> memref<3200xf32, #tpu.memory_space<hbm>>
          %dma_wait3A_291 = tpu.memref_slice %arg4[%mul3A_289] : memref<40960000xf32, #tpu.memory_space<hbm>> -> memref<3200xf32, #tpu.memory_space<hbm>>
          tpu.wait_dma2 semaphore(%arg24 : memref<!tpu.dma_semaphore, #tpu.memory_space<semaphore_mem>>) src(%arg8 : memref<3200xf32, #tpu.memory_space<vmem>>) dst(%dma_wait3A_291 : memref<3200xf32, #tpu.memory_space<hbm>>)
        } else {
        }
        %add3A_266 = arith.constant 8 : i32
        %add3A_267 = arith.addi %scan3A_124, %add3A_266 : i32
        %sub3A_268 = arith.constant 1 : i32
        %sub3A_269 = arith.subi %add3A_267, %sub3A_268 : i32
        %mul3A_270 = arith.constant 64 : i32
        %mul3A_271 = arith.muli %sub3A_269, %mul3A_270 : i32
        %add3A_272 = arith.constant 0 : i32
        %add3A_273 = arith.addi %mul3A_271, %add3A_272 : i32
        %dma_start3A_274 = arith.constant 1 : i32
        %dma_start3A_275 = arith.constant 0 : i32
        %dma_start3A_276 = arith.constant 0 : i32
        %dma_start3A_277 = tpu.memref_slice %arg6[%dma_start3A_274, %dma_start3A_275, %dma_start3A_276] : memref<8x64x128xf32, #tpu.memory_space<vmem>> -> memref<1x64x128xf32, #tpu.memory_space<vmem>>
        %dma_start3A_278 = tpu.memref_squeeze %dma_start3A_277 : memref<1x64x128xf32, #tpu.memory_space<vmem>> -> memref<64x128xf32, #tpu.memory_space<vmem>>
        %dma_start3A_279 = tpu.memref_slice %arg5[%add3A_273] : memref<25600xi32, #tpu.memory_space<vmem>> -> memref<64xi32, #tpu.memory_space<vmem>>
        %dma_start3A_280 = arith.constant 0 : i32
        %dma_start3A_281 = arith.constant 0 : i32
        %dma_start3A_282 = tpu.memref_slice %arg3[%dma_start3A_280, %dma_start3A_281] : memref<400000x128xf32, #tpu.memory_space<hbm>> -> memref<400000x128xf32, #tpu.memory_space<hbm>>
        tpu.enqueue_indirect_dma source(%dma_start3A_282 : memref<400000x128xf32, #tpu.memory_space<hbm>>) target(%dma_start3A_278 : memref<64x128xf32, #tpu.memory_space<vmem>>) offsets(%dma_start3A_279 : memref<64xi32, #tpu.memory_space<vmem>>) semaphore(%arg16 : memref<!tpu.dma_semaphore, #tpu.memory_space<semaphore_mem>>)
      } else {
      }
      %eq3A_160 = arith.constant 2 : i32
      %eq3A_161 = arith.cmpi eq, %rem3A_125, %eq3A_160 : i32
      %convert_element_type3A_162 = arith.extui %eq3A_161 : i1 to i32
      %cond3A_163 = arith.constant 0 : i32
      %cond3A_164 = arith.cmpi ne, %convert_element_type3A_162, %cond3A_163 : i32
      scf.if %cond3A_164 {
        %mul3A_262 = arith.constant 64 : i32
        %mul3A_263 = arith.muli %scan3A_124, %mul3A_262 : i32
        %add3A_264 = arith.constant 0 : i32
        %add3A_265 = arith.addi %mul3A_263, %add3A_264 : i32
        %dma_wait3A_266 = arith.constant 2 : i32
        %dma_wait3A_267 = arith.constant 0 : i32
        %dma_wait3A_268 = arith.constant 0 : i32
        %dma_wait3A_269 = tpu.memref_slice %arg6[%dma_wait3A_266, %dma_wait3A_267, %dma_wait3A_268] : memref<8x64x128xf32, #tpu.memory_space<vmem>> -> memref<1x64x128xf32, #tpu.memory_space<vmem>>
        %dma_wait3A_270 = tpu.memref_squeeze %dma_wait3A_269 : memref<1x64x128xf32, #tpu.memory_space<vmem>> -> memref<64x128xf32, #tpu.memory_space<vmem>>
        %dma_wait3A_271 = tpu.memref_slice %arg5[%add3A_265] : memref<25600xi32, #tpu.memory_space<vmem>> -> memref<64xi32, #tpu.memory_space<vmem>>
        %dma_wait3A_272 = arith.constant 0 : i32
        %dma_wait3A_273 = arith.constant 0 : i32
        %dma_wait3A_274 = tpu.memref_slice %arg3[%dma_wait3A_272, %dma_wait3A_273] : memref<400000x128xf32, #tpu.memory_space<hbm>> -> memref<400000x128xf32, #tpu.memory_space<hbm>>
        tpu.wait_indirect_dma semaphore(%arg17 : memref<!tpu.dma_semaphore, #tpu.memory_space<semaphore_mem>>) src(%dma_wait3A_274 : memref<400000x128xf32, #tpu.memory_space<hbm>>) dst(%dma_wait3A_270 : memref<64x128xf32, #tpu.memory_space<vmem>>)
        %scan3A_275 = arith.constant 0 : i32
        %scan3A_276 = arith.constant 0 : i32
        %scan3A_277 = arith.constant 64 : i32
        %scan3A_278 = arith.addi %scan3A_276, %scan3A_277 : i32
        %scan3A_279 = arith.constant 1 : i32
        scf.for %scan3A_288 = %scan3A_276 to %scan3A_278 step %scan3A_279  : i32 {
          %get3A = arith.constant 2 : i32
          %get3A_289 = arith.index_cast %get3A : i32 to index
          %get3A_290 = arith.index_cast %scan3A_288 : i32 to index
          %get3A_291 = arith.constant 0 : index
          %get3A_292 = tpu.vector_load %arg6[%get3A_289, %get3A_290, %get3A_291] {strides = array<i32>} : memref<8x64x128xf32, #tpu.memory_space<vmem>>, vector<16xf32>,
          %mul3A_293 = arith.constant 50 : i32
          %mul3A_294 = arith.muli %scan3A_288, %mul3A_293 : i32
          %add3A_295 = arith.constant 0 : i32
          %add3A_296 = arith.addi %mul3A_294, %add3A_295 : i32
          %add3A_297 = vector.broadcast %add3A_296 : i32 to vector<16xi32>
          %add3A_298 = arith.addi %add3A_297, %iota3A : vector<16xi32>
          tpu.vector_store_idx %arg9[%add3A_298], %get3A_292 : memref<3200xf32, #tpu.memory_space<vmem>>[vector<16xi32>], vector<16xf32>,
          %get3A_299 = arith.constant 2 : i32
          %get3A_300 = arith.index_cast %get3A_299 : i32 to index
          %get3A_301 = arith.index_cast %scan3A_288 : i32 to index
          %get3A_302 = arith.constant 16 : index
          %get3A_303 = tpu.vector_load %arg6[%get3A_300, %get3A_301, %get3A_302] {strides = array<i32>} : memref<8x64x128xf32, #tpu.memory_space<vmem>>, vector<16xf32>,
          %mul3A_304 = arith.constant 50 : i32
          %mul3A_305 = arith.muli %scan3A_288, %mul3A_304 : i32
          %add3A_306 = arith.constant 16 : i32
          %add3A_307 = arith.addi %mul3A_305, %add3A_306 : i32
          %add3A_308 = vector.broadcast %add3A_307 : i32 to vector<16xi32>
          %add3A_309 = arith.addi %add3A_308, %iota3A : vector<16xi32>
          tpu.vector_store_idx %arg9[%add3A_309], %get3A_303 : memref<3200xf32, #tpu.memory_space<vmem>>[vector<16xi32>], vector<16xf32>,
          %get3A_310 = arith.constant 2 : i32
          %get3A_311 = arith.index_cast %get3A_310 : i32 to index
          %get3A_312 = arith.index_cast %scan3A_288 : i32 to index
          %get3A_313 = arith.constant 32 : index
          %get3A_314 = tpu.vector_load %arg6[%get3A_311, %get3A_312, %get3A_313] {strides = array<i32>} : memref<8x64x128xf32, #tpu.memory_space<vmem>>, vector<16xf32>,
          %mul3A_315 = arith.constant 50 : i32
          %mul3A_316 = arith.muli %scan3A_288, %mul3A_315 : i32
          %add3A_317 = arith.constant 32 : i32
          %add3A_318 = arith.addi %mul3A_316, %add3A_317 : i32
          %add3A_319 = vector.broadcast %add3A_318 : i32 to vector<16xi32>
          %add3A_320 = arith.addi %add3A_319, %iota3A : vector<16xi32>
          tpu.vector_store_idx %arg9[%add3A_320], %get3A_314 : memref<3200xf32, #tpu.memory_space<vmem>>[vector<16xi32>], vector<16xf32>,
          %get3A_321 = arith.constant 2 : i32
          %get3A_322 = arith.index_cast %get3A_321 : i32 to index
          %get3A_323 = arith.index_cast %scan3A_288 : i32 to index
          %get3A_324 = arith.constant 48 : index
          %get3A_325 = tpu.vector_load %arg6[%get3A_322, %get3A_323, %get3A_324] {strides = array<i32>} : memref<8x64x128xf32, #tpu.memory_space<vmem>>, vector<16xf32>,
          %mul3A_326 = arith.constant 50 : i32
          %mul3A_327 = arith.muli %scan3A_288, %mul3A_326 : i32
          %add3A_328 = arith.constant 48 : i32
          %add3A_329 = arith.addi %mul3A_327, %add3A_328 : i32
          %add3A_330 = vector.broadcast %add3A_329 : i32 to vector<16xi32>
          %add3A_331 = arith.addi %add3A_330, %iota3A : vector<16xi32>
          %lt3A_332 = arith.constant 2 : i32
          %lt3A_333 = vector.broadcast %lt3A_332 : i32 to vector<16xi32>
          %lt3A_334 = arith.cmpi slt, %iota3A, %lt3A_333 : vector<16xi32>
          tpu.vector_store_idx %arg9[%add3A_331], %get3A_325 masked %lt3A_334 : memref<3200xf32, #tpu.memory_space<vmem>>[vector<16xi32>], vector<16xf32>, vector<16xi1>
        }
        %scan3A_280 = arith.constant 64 : i32
        %mul3A_281 = arith.constant 64 : i32
        %mul3A_282 = arith.muli %scan3A_124, %mul3A_281 : i32
        %add3A_283 = arith.addi %mul3A_2, %mul3A_282 : i32
        %mul3A_284 = arith.constant 50 : i32
        %mul3A_285 = arith.muli %add3A_283, %mul3A_284 : i32
        %dma_start3A_286 = tpu.memref_slice %arg4[%mul3A_285] : memref<40960000xf32, #tpu.memory_space<hbm>> -> memref<3200xf32, #tpu.memory_space<hbm>>
        %dma_start3A_287 = tpu.memref_slice %arg4[%mul3A_285] : memref<40960000xf32, #tpu.memory_space<hbm>> -> memref<3200xf32, #tpu.memory_space<hbm>>
        tpu.enqueue_dma source(%arg9 : memref<3200xf32, #tpu.memory_space<vmem>>) target(%dma_start3A_287 : memref<3200xf32, #tpu.memory_space<hbm>>) target_semaphore(%arg25 : memref<!tpu.dma_semaphore, #tpu.memory_space<semaphore_mem>>)
      } else {
      }
      %eq3A_165 = arith.constant 2 : i32
      %eq3A_166 = arith.cmpi eq, %rem3A_130, %eq3A_165 : i32
      %add3A_167 = arith.constant 8 : i32
      %add3A_168 = arith.addi %scan3A_124, %add3A_167 : i32
      %sub3A_169 = arith.constant 1 : i32
      %sub3A_170 = arith.subi %add3A_168, %sub3A_169 : i32
      %lt3A_171 = arith.constant 400 : i32
      %lt3A_172 = arith.cmpi slt, %sub3A_170, %lt3A_171 : i32
      %and3A_173 = arith.andi %eq3A_166, %lt3A_172 : i1
      %convert_element_type3A_174 = arith.extui %and3A_173 : i1 to i32
      %cond3A_175 = arith.constant 0 : i32
      %cond3A_176 = arith.cmpi ne, %convert_element_type3A_174, %cond3A_175 : i32
      scf.if %cond3A_176 {
        %ge3A = arith.constant 1 : i32
        %ge3A_262 = arith.cmpi sge, %scan3A_124, %ge3A : i32
        %convert_element_type3A_263 = arith.extui %ge3A_262 : i1 to i32
        %cond3A_264 = arith.constant 0 : i32
        %cond3A_265 = arith.cmpi ne, %convert_element_type3A_263, %cond3A_264 : i32
        scf.if %cond3A_265 {
          %sub3A_283 = arith.constant 1 : i32
          %sub3A_284 = arith.subi %scan3A_124, %sub3A_283 : i32
          %mul3A_285 = arith.constant 64 : i32
          %mul3A_286 = arith.muli %sub3A_284, %mul3A_285 : i32
          %add3A_287 = arith.addi %mul3A_2, %mul3A_286 : i32
          %mul3A_288 = arith.constant 50 : i32
          %mul3A_289 = arith.muli %add3A_287, %mul3A_288 : i32
          %dma_wait3A_290 = tpu.memref_slice %arg4[%mul3A_289] : memref<40960000xf32, #tpu.memory_space<hbm>> -> memref<3200xf32, #tpu.memory_space<hbm>>
          %dma_wait3A_291 = tpu.memref_slice %arg4[%mul3A_289] : memref<40960000xf32, #tpu.memory_space<hbm>> -> memref<3200xf32, #tpu.memory_space<hbm>>
          tpu.wait_dma2 semaphore(%arg25 : memref<!tpu.dma_semaphore, #tpu.memory_space<semaphore_mem>>) src(%arg9 : memref<3200xf32, #tpu.memory_space<vmem>>) dst(%dma_wait3A_291 : memref<3200xf32, #tpu.memory_space<hbm>>)
        } else {
        }
        %add3A_266 = arith.constant 8 : i32
        %add3A_267 = arith.addi %scan3A_124, %add3A_266 : i32
        %sub3A_268 = arith.constant 1 : i32
        %sub3A_269 = arith.subi %add3A_267, %sub3A_268 : i32
        %mul3A_270 = arith.constant 64 : i32
        %mul3A_271 = arith.muli %sub3A_269, %mul3A_270 : i32
        %add3A_272 = arith.constant 0 : i32
        %add3A_273 = arith.addi %mul3A_271, %add3A_272 : i32
        %dma_start3A_274 = arith.constant 2 : i32
        %dma_start3A_275 = arith.constant 0 : i32
        %dma_start3A_276 = arith.constant 0 : i32
        %dma_start3A_277 = tpu.memref_slice %arg6[%dma_start3A_274, %dma_start3A_275, %dma_start3A_276] : memref<8x64x128xf32, #tpu.memory_space<vmem>> -> memref<1x64x128xf32, #tpu.memory_space<vmem>>
        %dma_start3A_278 = tpu.memref_squeeze %dma_start3A_277 : memref<1x64x128xf32, #tpu.memory_space<vmem>> -> memref<64x128xf32, #tpu.memory_space<vmem>>
        %dma_start3A_279 = tpu.memref_slice %arg5[%add3A_273] : memref<25600xi32, #tpu.memory_space<vmem>> -> memref<64xi32, #tpu.memory_space<vmem>>
        %dma_start3A_280 = arith.constant 0 : i32
        %dma_start3A_281 = arith.constant 0 : i32
        %dma_start3A_282 = tpu.memref_slice %arg3[%dma_start3A_280, %dma_start3A_281] : memref<400000x128xf32, #tpu.memory_space<hbm>> -> memref<400000x128xf32, #tpu.memory_space<hbm>>
        tpu.enqueue_indirect_dma source(%dma_start3A_282 : memref<400000x128xf32, #tpu.memory_space<hbm>>) target(%dma_start3A_278 : memref<64x128xf32, #tpu.memory_space<vmem>>) offsets(%dma_start3A_279 : memref<64xi32, #tpu.memory_space<vmem>>) semaphore(%arg17 : memref<!tpu.dma_semaphore, #tpu.memory_space<semaphore_mem>>)
      } else {
      }
      %eq3A_177 = arith.constant 3 : i32
      %eq3A_178 = arith.cmpi eq, %rem3A_125, %eq3A_177 : i32
      %convert_element_type3A_179 = arith.extui %eq3A_178 : i1 to i32
      %cond3A_180 = arith.constant 0 : i32
      %cond3A_181 = arith.cmpi ne, %convert_element_type3A_179, %cond3A_180 : i32
      scf.if %cond3A_181 {
        %mul3A_262 = arith.constant 64 : i32
        %mul3A_263 = arith.muli %scan3A_124, %mul3A_262 : i32
        %add3A_264 = arith.constant 0 : i32
        %add3A_265 = arith.addi %mul3A_263, %add3A_264 : i32
        %dma_wait3A_266 = arith.constant 3 : i32
        %dma_wait3A_267 = arith.constant 0 : i32
        %dma_wait3A_268 = arith.constant 0 : i32
        %dma_wait3A_269 = tpu.memref_slice %arg6[%dma_wait3A_266, %dma_wait3A_267, %dma_wait3A_268] : memref<8x64x128xf32, #tpu.memory_space<vmem>> -> memref<1x64x128xf32, #tpu.memory_space<vmem>>
        %dma_wait3A_270 = tpu.memref_squeeze %dma_wait3A_269 : memref<1x64x128xf32, #tpu.memory_space<vmem>> -> memref<64x128xf32, #tpu.memory_space<vmem>>
        %dma_wait3A_271 = tpu.memref_slice %arg5[%add3A_265] : memref<25600xi32, #tpu.memory_space<vmem>> -> memref<64xi32, #tpu.memory_space<vmem>>
        %dma_wait3A_272 = arith.constant 0 : i32
        %dma_wait3A_273 = arith.constant 0 : i32
        %dma_wait3A_274 = tpu.memref_slice %arg3[%dma_wait3A_272, %dma_wait3A_273] : memref<400000x128xf32, #tpu.memory_space<hbm>> -> memref<400000x128xf32, #tpu.memory_space<hbm>>
        tpu.wait_indirect_dma semaphore(%arg18 : memref<!tpu.dma_semaphore, #tpu.memory_space<semaphore_mem>>) src(%dma_wait3A_274 : memref<400000x128xf32, #tpu.memory_space<hbm>>) dst(%dma_wait3A_270 : memref<64x128xf32, #tpu.memory_space<vmem>>)
        %scan3A_275 = arith.constant 0 : i32
        %scan3A_276 = arith.constant 0 : i32
        %scan3A_277 = arith.constant 64 : i32
        %scan3A_278 = arith.addi %scan3A_276, %scan3A_277 : i32
        %scan3A_279 = arith.constant 1 : i32
        scf.for %scan3A_288 = %scan3A_276 to %scan3A_278 step %scan3A_279  : i32 {
          %get3A = arith.constant 3 : i32
          %get3A_289 = arith.index_cast %get3A : i32 to index
          %get3A_290 = arith.index_cast %scan3A_288 : i32 to index
          %get3A_291 = arith.constant 0 : index
          %get3A_292 = tpu.vector_load %arg6[%get3A_289, %get3A_290, %get3A_291] {strides = array<i32>} : memref<8x64x128xf32, #tpu.memory_space<vmem>>, vector<16xf32>,
          %mul3A_293 = arith.constant 50 : i32
          %mul3A_294 = arith.muli %scan3A_288, %mul3A_293 : i32
          %add3A_295 = arith.constant 0 : i32
          %add3A_296 = arith.addi %mul3A_294, %add3A_295 : i32
          %add3A_297 = vector.broadcast %add3A_296 : i32 to vector<16xi32>
          %add3A_298 = arith.addi %add3A_297, %iota3A : vector<16xi32>
          tpu.vector_store_idx %arg10[%add3A_298], %get3A_292 : memref<3200xf32, #tpu.memory_space<vmem>>[vector<16xi32>], vector<16xf32>,
          %get3A_299 = arith.constant 3 : i32
          %get3A_300 = arith.index_cast %get3A_299 : i32 to index
          %get3A_301 = arith.index_cast %scan3A_288 : i32 to index
          %get3A_302 = arith.constant 16 : index
          %get3A_303 = tpu.vector_load %arg6[%get3A_300, %get3A_301, %get3A_302] {strides = array<i32>} : memref<8x64x128xf32, #tpu.memory_space<vmem>>, vector<16xf32>,
          %mul3A_304 = arith.constant 50 : i32
          %mul3A_305 = arith.muli %scan3A_288, %mul3A_304 : i32
          %add3A_306 = arith.constant 16 : i32
          %add3A_307 = arith.addi %mul3A_305, %add3A_306 : i32
          %add3A_308 = vector.broadcast %add3A_307 : i32 to vector<16xi32>
          %add3A_309 = arith.addi %add3A_308, %iota3A : vector<16xi32>
          tpu.vector_store_idx %arg10[%add3A_309], %get3A_303 : memref<3200xf32, #tpu.memory_space<vmem>>[vector<16xi32>], vector<16xf32>,
          %get3A_310 = arith.constant 3 : i32
          %get3A_311 = arith.index_cast %get3A_310 : i32 to index
          %get3A_312 = arith.index_cast %scan3A_288 : i32 to index
          %get3A_313 = arith.constant 32 : index
          %get3A_314 = tpu.vector_load %arg6[%get3A_311, %get3A_312, %get3A_313] {strides = array<i32>} : memref<8x64x128xf32, #tpu.memory_space<vmem>>, vector<16xf32>,
          %mul3A_315 = arith.constant 50 : i32
          %mul3A_316 = arith.muli %scan3A_288, %mul3A_315 : i32
          %add3A_317 = arith.constant 32 : i32
          %add3A_318 = arith.addi %mul3A_316, %add3A_317 : i32
          %add3A_319 = vector.broadcast %add3A_318 : i32 to vector<16xi32>
          %add3A_320 = arith.addi %add3A_319, %iota3A : vector<16xi32>
          tpu.vector_store_idx %arg10[%add3A_320], %get3A_314 : memref<3200xf32, #tpu.memory_space<vmem>>[vector<16xi32>], vector<16xf32>,
          %get3A_321 = arith.constant 3 : i32
          %get3A_322 = arith.index_cast %get3A_321 : i32 to index
          %get3A_323 = arith.index_cast %scan3A_288 : i32 to index
          %get3A_324 = arith.constant 48 : index
          %get3A_325 = tpu.vector_load %arg6[%get3A_322, %get3A_323, %get3A_324] {strides = array<i32>} : memref<8x64x128xf32, #tpu.memory_space<vmem>>, vector<16xf32>,
          %mul3A_326 = arith.constant 50 : i32
          %mul3A_327 = arith.muli %scan3A_288, %mul3A_326 : i32
          %add3A_328 = arith.constant 48 : i32
          %add3A_329 = arith.addi %mul3A_327, %add3A_328 : i32
          %add3A_330 = vector.broadcast %add3A_329 : i32 to vector<16xi32>
          %add3A_331 = arith.addi %add3A_330, %iota3A : vector<16xi32>
          %lt3A_332 = arith.constant 2 : i32
          %lt3A_333 = vector.broadcast %lt3A_332 : i32 to vector<16xi32>
          %lt3A_334 = arith.cmpi slt, %iota3A, %lt3A_333 : vector<16xi32>
          tpu.vector_store_idx %arg10[%add3A_331], %get3A_325 masked %lt3A_334 : memref<3200xf32, #tpu.memory_space<vmem>>[vector<16xi32>], vector<16xf32>, vector<16xi1>
        }
        %scan3A_280 = arith.constant 64 : i32
        %mul3A_281 = arith.constant 64 : i32
        %mul3A_282 = arith.muli %scan3A_124, %mul3A_281 : i32
        %add3A_283 = arith.addi %mul3A_2, %mul3A_282 : i32
        %mul3A_284 = arith.constant 50 : i32
        %mul3A_285 = arith.muli %add3A_283, %mul3A_284 : i32
        %dma_start3A_286 = tpu.memref_slice %arg4[%mul3A_285] : memref<40960000xf32, #tpu.memory_space<hbm>> -> memref<3200xf32, #tpu.memory_space<hbm>>
        %dma_start3A_287 = tpu.memref_slice %arg4[%mul3A_285] : memref<40960000xf32, #tpu.memory_space<hbm>> -> memref<3200xf32, #tpu.memory_space<hbm>>
        tpu.enqueue_dma source(%arg10 : memref<3200xf32, #tpu.memory_space<vmem>>) target(%dma_start3A_287 : memref<3200xf32, #tpu.memory_space<hbm>>) target_semaphore(%arg26 : memref<!tpu.dma_semaphore, #tpu.memory_space<semaphore_mem>>)
      } else {
      }
      %eq3A_182 = arith.constant 3 : i32
      %eq3A_183 = arith.cmpi eq, %rem3A_130, %eq3A_182 : i32
      %add3A_184 = arith.constant 8 : i32
      %add3A_185 = arith.addi %scan3A_124, %add3A_184 : i32
      %sub3A_186 = arith.constant 1 : i32
      %sub3A_187 = arith.subi %add3A_185, %sub3A_186 : i32
      %lt3A_188 = arith.constant 400 : i32
      %lt3A_189 = arith.cmpi slt, %sub3A_187, %lt3A_188 : i32
      %and3A_190 = arith.andi %eq3A_183, %lt3A_189 : i1
      %convert_element_type3A_191 = arith.extui %and3A_190 : i1 to i32
      %cond3A_192 = arith.constant 0 : i32
      %cond3A_193 = arith.cmpi ne, %convert_element_type3A_191, %cond3A_192 : i32
      scf.if %cond3A_193 {
        %ge3A = arith.constant 1 : i32
        %ge3A_262 = arith.cmpi sge, %scan3A_124, %ge3A : i32
        %convert_element_type3A_263 = arith.extui %ge3A_262 : i1 to i32
        %cond3A_264 = arith.constant 0 : i32
        %cond3A_265 = arith.cmpi ne, %convert_element_type3A_263, %cond3A_264 : i32
        scf.if %cond3A_265 {
          %sub3A_283 = arith.constant 1 : i32
          %sub3A_284 = arith.subi %scan3A_124, %sub3A_283 : i32
          %mul3A_285 = arith.constant 64 : i32
          %mul3A_286 = arith.muli %sub3A_284, %mul3A_285 : i32
          %add3A_287 = arith.addi %mul3A_2, %mul3A_286 : i32
          %mul3A_288 = arith.constant 50 : i32
          %mul3A_289 = arith.muli %add3A_287, %mul3A_288 : i32
          %dma_wait3A_290 = tpu.memref_slice %arg4[%mul3A_289] : memref<40960000xf32, #tpu.memory_space<hbm>> -> memref<3200xf32, #tpu.memory_space<hbm>>
          %dma_wait3A_291 = tpu.memref_slice %arg4[%mul3A_289] : memref<40960000xf32, #tpu.memory_space<hbm>> -> memref<3200xf32, #tpu.memory_space<hbm>>
          tpu.wait_dma2 semaphore(%arg26 : memref<!tpu.dma_semaphore, #tpu.memory_space<semaphore_mem>>) src(%arg10 : memref<3200xf32, #tpu.memory_space<vmem>>) dst(%dma_wait3A_291 : memref<3200xf32, #tpu.memory_space<hbm>>)
        } else {
        }
        %add3A_266 = arith.constant 8 : i32
        %add3A_267 = arith.addi %scan3A_124, %add3A_266 : i32
        %sub3A_268 = arith.constant 1 : i32
        %sub3A_269 = arith.subi %add3A_267, %sub3A_268 : i32
        %mul3A_270 = arith.constant 64 : i32
        %mul3A_271 = arith.muli %sub3A_269, %mul3A_270 : i32
        %add3A_272 = arith.constant 0 : i32
        %add3A_273 = arith.addi %mul3A_271, %add3A_272 : i32
        %dma_start3A_274 = arith.constant 3 : i32
        %dma_start3A_275 = arith.constant 0 : i32
        %dma_start3A_276 = arith.constant 0 : i32
        %dma_start3A_277 = tpu.memref_slice %arg6[%dma_start3A_274, %dma_start3A_275, %dma_start3A_276] : memref<8x64x128xf32, #tpu.memory_space<vmem>> -> memref<1x64x128xf32, #tpu.memory_space<vmem>>
        %dma_start3A_278 = tpu.memref_squeeze %dma_start3A_277 : memref<1x64x128xf32, #tpu.memory_space<vmem>> -> memref<64x128xf32, #tpu.memory_space<vmem>>
        %dma_start3A_279 = tpu.memref_slice %arg5[%add3A_273] : memref<25600xi32, #tpu.memory_space<vmem>> -> memref<64xi32, #tpu.memory_space<vmem>>
        %dma_start3A_280 = arith.constant 0 : i32
        %dma_start3A_281 = arith.constant 0 : i32
        %dma_start3A_282 = tpu.memref_slice %arg3[%dma_start3A_280, %dma_start3A_281] : memref<400000x128xf32, #tpu.memory_space<hbm>> -> memref<400000x128xf32, #tpu.memory_space<hbm>>
        tpu.enqueue_indirect_dma source(%dma_start3A_282 : memref<400000x128xf32, #tpu.memory_space<hbm>>) target(%dma_start3A_278 : memref<64x128xf32, #tpu.memory_space<vmem>>) offsets(%dma_start3A_279 : memref<64xi32, #tpu.memory_space<vmem>>) semaphore(%arg18 : memref<!tpu.dma_semaphore, #tpu.memory_space<semaphore_mem>>)
      } else {
      }
      %eq3A_194 = arith.constant 4 : i32
      %eq3A_195 = arith.cmpi eq, %rem3A_125, %eq3A_194 : i32
      %convert_element_type3A_196 = arith.extui %eq3A_195 : i1 to i32
      %cond3A_197 = arith.constant 0 : i32
      %cond3A_198 = arith.cmpi ne, %convert_element_type3A_196, %cond3A_197 : i32
      scf.if %cond3A_198 {
        %mul3A_262 = arith.constant 64 : i32
        %mul3A_263 = arith.muli %scan3A_124, %mul3A_262 : i32
        %add3A_264 = arith.constant 0 : i32
        %add3A_265 = arith.addi %mul3A_263, %add3A_264 : i32
        %dma_wait3A_266 = arith.constant 4 : i32
        %dma_wait3A_267 = arith.constant 0 : i32
        %dma_wait3A_268 = arith.constant 0 : i32
        %dma_wait3A_269 = tpu.memref_slice %arg6[%dma_wait3A_266, %dma_wait3A_267, %dma_wait3A_268] : memref<8x64x128xf32, #tpu.memory_space<vmem>> -> memref<1x64x128xf32, #tpu.memory_space<vmem>>
        %dma_wait3A_270 = tpu.memref_squeeze %dma_wait3A_269 : memref<1x64x128xf32, #tpu.memory_space<vmem>> -> memref<64x128xf32, #tpu.memory_space<vmem>>
        %dma_wait3A_271 = tpu.memref_slice %arg5[%add3A_265] : memref<25600xi32, #tpu.memory_space<vmem>> -> memref<64xi32, #tpu.memory_space<vmem>>
        %dma_wait3A_272 = arith.constant 0 : i32
        %dma_wait3A_273 = arith.constant 0 : i32
        %dma_wait3A_274 = tpu.memref_slice %arg3[%dma_wait3A_272, %dma_wait3A_273] : memref<400000x128xf32, #tpu.memory_space<hbm>> -> memref<400000x128xf32, #tpu.memory_space<hbm>>
        tpu.wait_indirect_dma semaphore(%arg19 : memref<!tpu.dma_semaphore, #tpu.memory_space<semaphore_mem>>) src(%dma_wait3A_274 : memref<400000x128xf32, #tpu.memory_space<hbm>>) dst(%dma_wait3A_270 : memref<64x128xf32, #tpu.memory_space<vmem>>)
        %scan3A_275 = arith.constant 0 : i32
        %scan3A_276 = arith.constant 0 : i32
        %scan3A_277 = arith.constant 64 : i32
        %scan3A_278 = arith.addi %scan3A_276, %scan3A_277 : i32
        %scan3A_279 = arith.constant 1 : i32
        scf.for %scan3A_288 = %scan3A_276 to %scan3A_278 step %scan3A_279  : i32 {
          %get3A = arith.constant 4 : i32
          %get3A_289 = arith.index_cast %get3A : i32 to index
          %get3A_290 = arith.index_cast %scan3A_288 : i32 to index
          %get3A_291 = arith.constant 0 : index
          %get3A_292 = tpu.vector_load %arg6[%get3A_289, %get3A_290, %get3A_291] {strides = array<i32>} : memref<8x64x128xf32, #tpu.memory_space<vmem>>, vector<16xf32>,
          %mul3A_293 = arith.constant 50 : i32
          %mul3A_294 = arith.muli %scan3A_288, %mul3A_293 : i32
          %add3A_295 = arith.constant 0 : i32
          %add3A_296 = arith.addi %mul3A_294, %add3A_295 : i32
          %add3A_297 = vector.broadcast %add3A_296 : i32 to vector<16xi32>
          %add3A_298 = arith.addi %add3A_297, %iota3A : vector<16xi32>
          tpu.vector_store_idx %arg11[%add3A_298], %get3A_292 : memref<3200xf32, #tpu.memory_space<vmem>>[vector<16xi32>], vector<16xf32>,
          %get3A_299 = arith.constant 4 : i32
          %get3A_300 = arith.index_cast %get3A_299 : i32 to index
          %get3A_301 = arith.index_cast %scan3A_288 : i32 to index
          %get3A_302 = arith.constant 16 : index
          %get3A_303 = tpu.vector_load %arg6[%get3A_300, %get3A_301, %get3A_302] {strides = array<i32>} : memref<8x64x128xf32, #tpu.memory_space<vmem>>, vector<16xf32>,
          %mul3A_304 = arith.constant 50 : i32
          %mul3A_305 = arith.muli %scan3A_288, %mul3A_304 : i32
          %add3A_306 = arith.constant 16 : i32
          %add3A_307 = arith.addi %mul3A_305, %add3A_306 : i32
          %add3A_308 = vector.broadcast %add3A_307 : i32 to vector<16xi32>
          %add3A_309 = arith.addi %add3A_308, %iota3A : vector<16xi32>
          tpu.vector_store_idx %arg11[%add3A_309], %get3A_303 : memref<3200xf32, #tpu.memory_space<vmem>>[vector<16xi32>], vector<16xf32>,
          %get3A_310 = arith.constant 4 : i32
          %get3A_311 = arith.index_cast %get3A_310 : i32 to index
          %get3A_312 = arith.index_cast %scan3A_288 : i32 to index
          %get3A_313 = arith.constant 32 : index
          %get3A_314 = tpu.vector_load %arg6[%get3A_311, %get3A_312, %get3A_313] {strides = array<i32>} : memref<8x64x128xf32, #tpu.memory_space<vmem>>, vector<16xf32>,
          %mul3A_315 = arith.constant 50 : i32
          %mul3A_316 = arith.muli %scan3A_288, %mul3A_315 : i32
          %add3A_317 = arith.constant 32 : i32
          %add3A_318 = arith.addi %mul3A_316, %add3A_317 : i32
          %add3A_319 = vector.broadcast %add3A_318 : i32 to vector<16xi32>
          %add3A_320 = arith.addi %add3A_319, %iota3A : vector<16xi32>
          tpu.vector_store_idx %arg11[%add3A_320], %get3A_314 : memref<3200xf32, #tpu.memory_space<vmem>>[vector<16xi32>], vector<16xf32>,
          %get3A_321 = arith.constant 4 : i32
          %get3A_322 = arith.index_cast %get3A_321 : i32 to index
          %get3A_323 = arith.index_cast %scan3A_288 : i32 to index
          %get3A_324 = arith.constant 48 : index
          %get3A_325 = tpu.vector_load %arg6[%get3A_322, %get3A_323, %get3A_324] {strides = array<i32>} : memref<8x64x128xf32, #tpu.memory_space<vmem>>, vector<16xf32>,
          %mul3A_326 = arith.constant 50 : i32
          %mul3A_327 = arith.muli %scan3A_288, %mul3A_326 : i32
          %add3A_328 = arith.constant 48 : i32
          %add3A_329 = arith.addi %mul3A_327, %add3A_328 : i32
          %add3A_330 = vector.broadcast %add3A_329 : i32 to vector<16xi32>
          %add3A_331 = arith.addi %add3A_330, %iota3A : vector<16xi32>
          %lt3A_332 = arith.constant 2 : i32
          %lt3A_333 = vector.broadcast %lt3A_332 : i32 to vector<16xi32>
          %lt3A_334 = arith.cmpi slt, %iota3A, %lt3A_333 : vector<16xi32>
          tpu.vector_store_idx %arg11[%add3A_331], %get3A_325 masked %lt3A_334 : memref<3200xf32, #tpu.memory_space<vmem>>[vector<16xi32>], vector<16xf32>, vector<16xi1>
        }
        %scan3A_280 = arith.constant 64 : i32
        %mul3A_281 = arith.constant 64 : i32
        %mul3A_282 = arith.muli %scan3A_124, %mul3A_281 : i32
        %add3A_283 = arith.addi %mul3A_2, %mul3A_282 : i32
        %mul3A_284 = arith.constant 50 : i32
        %mul3A_285 = arith.muli %add3A_283, %mul3A_284 : i32
        %dma_start3A_286 = tpu.memref_slice %arg4[%mul3A_285] : memref<40960000xf32, #tpu.memory_space<hbm>> -> memref<3200xf32, #tpu.memory_space<hbm>>
        %dma_start3A_287 = tpu.memref_slice %arg4[%mul3A_285] : memref<40960000xf32, #tpu.memory_space<hbm>> -> memref<3200xf32, #tpu.memory_space<hbm>>
        tpu.enqueue_dma source(%arg11 : memref<3200xf32, #tpu.memory_space<vmem>>) target(%dma_start3A_287 : memref<3200xf32, #tpu.memory_space<hbm>>) target_semaphore(%arg27 : memref<!tpu.dma_semaphore, #tpu.memory_space<semaphore_mem>>)
      } else {
      }
      %eq3A_199 = arith.constant 4 : i32
      %eq3A_200 = arith.cmpi eq, %rem3A_130, %eq3A_199 : i32
      %add3A_201 = arith.constant 8 : i32
      %add3A_202 = arith.addi %scan3A_124, %add3A_201 : i32
      %sub3A_203 = arith.constant 1 : i32
      %sub3A_204 = arith.subi %add3A_202, %sub3A_203 : i32
      %lt3A_205 = arith.constant 400 : i32
      %lt3A_206 = arith.cmpi slt, %sub3A_204, %lt3A_205 : i32
      %and3A_207 = arith.andi %eq3A_200, %lt3A_206 : i1
      %convert_element_type3A_208 = arith.extui %and3A_207 : i1 to i32
      %cond3A_209 = arith.constant 0 : i32
      %cond3A_210 = arith.cmpi ne, %convert_element_type3A_208, %cond3A_209 : i32
      scf.if %cond3A_210 {
        %ge3A = arith.constant 1 : i32
        %ge3A_262 = arith.cmpi sge, %scan3A_124, %ge3A : i32
        %convert_element_type3A_263 = arith.extui %ge3A_262 : i1 to i32
        %cond3A_264 = arith.constant 0 : i32
        %cond3A_265 = arith.cmpi ne, %convert_element_type3A_263, %cond3A_264 : i32
        scf.if %cond3A_265 {
          %sub3A_283 = arith.constant 1 : i32
          %sub3A_284 = arith.subi %scan3A_124, %sub3A_283 : i32
          %mul3A_285 = arith.constant 64 : i32
          %mul3A_286 = arith.muli %sub3A_284, %mul3A_285 : i32
          %add3A_287 = arith.addi %mul3A_2, %mul3A_286 : i32
          %mul3A_288 = arith.constant 50 : i32
          %mul3A_289 = arith.muli %add3A_287, %mul3A_288 : i32
          %dma_wait3A_290 = tpu.memref_slice %arg4[%mul3A_289] : memref<40960000xf32, #tpu.memory_space<hbm>> -> memref<3200xf32, #tpu.memory_space<hbm>>
          %dma_wait3A_291 = tpu.memref_slice %arg4[%mul3A_289] : memref<40960000xf32, #tpu.memory_space<hbm>> -> memref<3200xf32, #tpu.memory_space<hbm>>
          tpu.wait_dma2 semaphore(%arg27 : memref<!tpu.dma_semaphore, #tpu.memory_space<semaphore_mem>>) src(%arg11 : memref<3200xf32, #tpu.memory_space<vmem>>) dst(%dma_wait3A_291 : memref<3200xf32, #tpu.memory_space<hbm>>)
        } else {
        }
        %add3A_266 = arith.constant 8 : i32
        %add3A_267 = arith.addi %scan3A_124, %add3A_266 : i32
        %sub3A_268 = arith.constant 1 : i32
        %sub3A_269 = arith.subi %add3A_267, %sub3A_268 : i32
        %mul3A_270 = arith.constant 64 : i32
        %mul3A_271 = arith.muli %sub3A_269, %mul3A_270 : i32
        %add3A_272 = arith.constant 0 : i32
        %add3A_273 = arith.addi %mul3A_271, %add3A_272 : i32
        %dma_start3A_274 = arith.constant 4 : i32
        %dma_start3A_275 = arith.constant 0 : i32
        %dma_start3A_276 = arith.constant 0 : i32
        %dma_start3A_277 = tpu.memref_slice %arg6[%dma_start3A_274, %dma_start3A_275, %dma_start3A_276] : memref<8x64x128xf32, #tpu.memory_space<vmem>> -> memref<1x64x128xf32, #tpu.memory_space<vmem>>
        %dma_start3A_278 = tpu.memref_squeeze %dma_start3A_277 : memref<1x64x128xf32, #tpu.memory_space<vmem>> -> memref<64x128xf32, #tpu.memory_space<vmem>>
        %dma_start3A_279 = tpu.memref_slice %arg5[%add3A_273] : memref<25600xi32, #tpu.memory_space<vmem>> -> memref<64xi32, #tpu.memory_space<vmem>>
        %dma_start3A_280 = arith.constant 0 : i32
        %dma_start3A_281 = arith.constant 0 : i32
        %dma_start3A_282 = tpu.memref_slice %arg3[%dma_start3A_280, %dma_start3A_281] : memref<400000x128xf32, #tpu.memory_space<hbm>> -> memref<400000x128xf32, #tpu.memory_space<hbm>>
        tpu.enqueue_indirect_dma source(%dma_start3A_282 : memref<400000x128xf32, #tpu.memory_space<hbm>>) target(%dma_start3A_278 : memref<64x128xf32, #tpu.memory_space<vmem>>) offsets(%dma_start3A_279 : memref<64xi32, #tpu.memory_space<vmem>>) semaphore(%arg19 : memref<!tpu.dma_semaphore, #tpu.memory_space<semaphore_mem>>)
      } else {
      }
      %eq3A_211 = arith.constant 5 : i32
      %eq3A_212 = arith.cmpi eq, %rem3A_125, %eq3A_211 : i32
      %convert_element_type3A_213 = arith.extui %eq3A_212 : i1 to i32
      %cond3A_214 = arith.constant 0 : i32
      %cond3A_215 = arith.cmpi ne, %convert_element_type3A_213, %cond3A_214 : i32
      scf.if %cond3A_215 {
        %mul3A_262 = arith.constant 64 : i32
        %mul3A_263 = arith.muli %scan3A_124, %mul3A_262 : i32
        %add3A_264 = arith.constant 0 : i32
        %add3A_265 = arith.addi %mul3A_263, %add3A_264 : i32
        %dma_wait3A_266 = arith.constant 5 : i32
        %dma_wait3A_267 = arith.constant 0 : i32
        %dma_wait3A_268 = arith.constant 0 : i32
        %dma_wait3A_269 = tpu.memref_slice %arg6[%dma_wait3A_266, %dma_wait3A_267, %dma_wait3A_268] : memref<8x64x128xf32, #tpu.memory_space<vmem>> -> memref<1x64x128xf32, #tpu.memory_space<vmem>>
        %dma_wait3A_270 = tpu.memref_squeeze %dma_wait3A_269 : memref<1x64x128xf32, #tpu.memory_space<vmem>> -> memref<64x128xf32, #tpu.memory_space<vmem>>
        %dma_wait3A_271 = tpu.memref_slice %arg5[%add3A_265] : memref<25600xi32, #tpu.memory_space<vmem>> -> memref<64xi32, #tpu.memory_space<vmem>>
        %dma_wait3A_272 = arith.constant 0 : i32
        %dma_wait3A_273 = arith.constant 0 : i32
        %dma_wait3A_274 = tpu.memref_slice %arg3[%dma_wait3A_272, %dma_wait3A_273] : memref<400000x128xf32, #tpu.memory_space<hbm>> -> memref<400000x128xf32, #tpu.memory_space<hbm>>
        tpu.wait_indirect_dma semaphore(%arg20 : memref<!tpu.dma_semaphore, #tpu.memory_space<semaphore_mem>>) src(%dma_wait3A_274 : memref<400000x128xf32, #tpu.memory_space<hbm>>) dst(%dma_wait3A_270 : memref<64x128xf32, #tpu.memory_space<vmem>>)
        %scan3A_275 = arith.constant 0 : i32
        %scan3A_276 = arith.constant 0 : i32
        %scan3A_277 = arith.constant 64 : i32
        %scan3A_278 = arith.addi %scan3A_276, %scan3A_277 : i32
        %scan3A_279 = arith.constant 1 : i32
        scf.for %scan3A_288 = %scan3A_276 to %scan3A_278 step %scan3A_279  : i32 {
          %get3A = arith.constant 5 : i32
          %get3A_289 = arith.index_cast %get3A : i32 to index
          %get3A_290 = arith.index_cast %scan3A_288 : i32 to index
          %get3A_291 = arith.constant 0 : index
          %get3A_292 = tpu.vector_load %arg6[%get3A_289, %get3A_290, %get3A_291] {strides = array<i32>} : memref<8x64x128xf32, #tpu.memory_space<vmem>>, vector<16xf32>,
          %mul3A_293 = arith.constant 50 : i32
          %mul3A_294 = arith.muli %scan3A_288, %mul3A_293 : i32
          %add3A_295 = arith.constant 0 : i32
          %add3A_296 = arith.addi %mul3A_294, %add3A_295 : i32
          %add3A_297 = vector.broadcast %add3A_296 : i32 to vector<16xi32>
          %add3A_298 = arith.addi %add3A_297, %iota3A : vector<16xi32>
          tpu.vector_store_idx %arg12[%add3A_298], %get3A_292 : memref<3200xf32, #tpu.memory_space<vmem>>[vector<16xi32>], vector<16xf32>,
          %get3A_299 = arith.constant 5 : i32
          %get3A_300 = arith.index_cast %get3A_299 : i32 to index
          %get3A_301 = arith.index_cast %scan3A_288 : i32 to index
          %get3A_302 = arith.constant 16 : index
          %get3A_303 = tpu.vector_load %arg6[%get3A_300, %get3A_301, %get3A_302] {strides = array<i32>} : memref<8x64x128xf32, #tpu.memory_space<vmem>>, vector<16xf32>,
          %mul3A_304 = arith.constant 50 : i32
          %mul3A_305 = arith.muli %scan3A_288, %mul3A_304 : i32
          %add3A_306 = arith.constant 16 : i32
          %add3A_307 = arith.addi %mul3A_305, %add3A_306 : i32
          %add3A_308 = vector.broadcast %add3A_307 : i32 to vector<16xi32>
          %add3A_309 = arith.addi %add3A_308, %iota3A : vector<16xi32>
          tpu.vector_store_idx %arg12[%add3A_309], %get3A_303 : memref<3200xf32, #tpu.memory_space<vmem>>[vector<16xi32>], vector<16xf32>,
          %get3A_310 = arith.constant 5 : i32
          %get3A_311 = arith.index_cast %get3A_310 : i32 to index
          %get3A_312 = arith.index_cast %scan3A_288 : i32 to index
          %get3A_313 = arith.constant 32 : index
          %get3A_314 = tpu.vector_load %arg6[%get3A_311, %get3A_312, %get3A_313] {strides = array<i32>} : memref<8x64x128xf32, #tpu.memory_space<vmem>>, vector<16xf32>,
          %mul3A_315 = arith.constant 50 : i32
          %mul3A_316 = arith.muli %scan3A_288, %mul3A_315 : i32
          %add3A_317 = arith.constant 32 : i32
          %add3A_318 = arith.addi %mul3A_316, %add3A_317 : i32
          %add3A_319 = vector.broadcast %add3A_318 : i32 to vector<16xi32>
          %add3A_320 = arith.addi %add3A_319, %iota3A : vector<16xi32>
          tpu.vector_store_idx %arg12[%add3A_320], %get3A_314 : memref<3200xf32, #tpu.memory_space<vmem>>[vector<16xi32>], vector<16xf32>,
          %get3A_321 = arith.constant 5 : i32
          %get3A_322 = arith.index_cast %get3A_321 : i32 to index
          %get3A_323 = arith.index_cast %scan3A_288 : i32 to index
          %get3A_324 = arith.constant 48 : index
          %get3A_325 = tpu.vector_load %arg6[%get3A_322, %get3A_323, %get3A_324] {strides = array<i32>} : memref<8x64x128xf32, #tpu.memory_space<vmem>>, vector<16xf32>,
          %mul3A_326 = arith.constant 50 : i32
          %mul3A_327 = arith.muli %scan3A_288, %mul3A_326 : i32
          %add3A_328 = arith.constant 48 : i32
          %add3A_329 = arith.addi %mul3A_327, %add3A_328 : i32
          %add3A_330 = vector.broadcast %add3A_329 : i32 to vector<16xi32>
          %add3A_331 = arith.addi %add3A_330, %iota3A : vector<16xi32>
          %lt3A_332 = arith.constant 2 : i32
          %lt3A_333 = vector.broadcast %lt3A_332 : i32 to vector<16xi32>
          %lt3A_334 = arith.cmpi slt, %iota3A, %lt3A_333 : vector<16xi32>
          tpu.vector_store_idx %arg12[%add3A_331], %get3A_325 masked %lt3A_334 : memref<3200xf32, #tpu.memory_space<vmem>>[vector<16xi32>], vector<16xf32>, vector<16xi1>
        }
        %scan3A_280 = arith.constant 64 : i32
        %mul3A_281 = arith.constant 64 : i32
        %mul3A_282 = arith.muli %scan3A_124, %mul3A_281 : i32
        %add3A_283 = arith.addi %mul3A_2, %mul3A_282 : i32
        %mul3A_284 = arith.constant 50 : i32
        %mul3A_285 = arith.muli %add3A_283, %mul3A_284 : i32
        %dma_start3A_286 = tpu.memref_slice %arg4[%mul3A_285] : memref<40960000xf32, #tpu.memory_space<hbm>> -> memref<3200xf32, #tpu.memory_space<hbm>>
        %dma_start3A_287 = tpu.memref_slice %arg4[%mul3A_285] : memref<40960000xf32, #tpu.memory_space<hbm>> -> memref<3200xf32, #tpu.memory_space<hbm>>
        tpu.enqueue_dma source(%arg12 : memref<3200xf32, #tpu.memory_space<vmem>>) target(%dma_start3A_287 : memref<3200xf32, #tpu.memory_space<hbm>>) target_semaphore(%arg28 : memref<!tpu.dma_semaphore, #tpu.memory_space<semaphore_mem>>)
      } else {
      }
      %eq3A_216 = arith.constant 5 : i32
      %eq3A_217 = arith.cmpi eq, %rem3A_130, %eq3A_216 : i32
      %add3A_218 = arith.constant 8 : i32
      %add3A_219 = arith.addi %scan3A_124, %add3A_218 : i32
      %sub3A_220 = arith.constant 1 : i32
      %sub3A_221 = arith.subi %add3A_219, %sub3A_220 : i32
      %lt3A_222 = arith.constant 400 : i32
      %lt3A_223 = arith.cmpi slt, %sub3A_221, %lt3A_222 : i32
      %and3A_224 = arith.andi %eq3A_217, %lt3A_223 : i1
      %convert_element_type3A_225 = arith.extui %and3A_224 : i1 to i32
      %cond3A_226 = arith.constant 0 : i32
      %cond3A_227 = arith.cmpi ne, %convert_element_type3A_225, %cond3A_226 : i32
      scf.if %cond3A_227 {
        %ge3A = arith.constant 1 : i32
        %ge3A_262 = arith.cmpi sge, %scan3A_124, %ge3A : i32
        %convert_element_type3A_263 = arith.extui %ge3A_262 : i1 to i32
        %cond3A_264 = arith.constant 0 : i32
        %cond3A_265 = arith.cmpi ne, %convert_element_type3A_263, %cond3A_264 : i32
        scf.if %cond3A_265 {
          %sub3A_283 = arith.constant 1 : i32
          %sub3A_284 = arith.subi %scan3A_124, %sub3A_283 : i32
          %mul3A_285 = arith.constant 64 : i32
          %mul3A_286 = arith.muli %sub3A_284, %mul3A_285 : i32
          %add3A_287 = arith.addi %mul3A_2, %mul3A_286 : i32
          %mul3A_288 = arith.constant 50 : i32
          %mul3A_289 = arith.muli %add3A_287, %mul3A_288 : i32
          %dma_wait3A_290 = tpu.memref_slice %arg4[%mul3A_289] : memref<40960000xf32, #tpu.memory_space<hbm>> -> memref<3200xf32, #tpu.memory_space<hbm>>
          %dma_wait3A_291 = tpu.memref_slice %arg4[%mul3A_289] : memref<40960000xf32, #tpu.memory_space<hbm>> -> memref<3200xf32, #tpu.memory_space<hbm>>
          tpu.wait_dma2 semaphore(%arg28 : memref<!tpu.dma_semaphore, #tpu.memory_space<semaphore_mem>>) src(%arg12 : memref<3200xf32, #tpu.memory_space<vmem>>) dst(%dma_wait3A_291 : memref<3200xf32, #tpu.memory_space<hbm>>)
        } else {
        }
        %add3A_266 = arith.constant 8 : i32
        %add3A_267 = arith.addi %scan3A_124, %add3A_266 : i32
        %sub3A_268 = arith.constant 1 : i32
        %sub3A_269 = arith.subi %add3A_267, %sub3A_268 : i32
        %mul3A_270 = arith.constant 64 : i32
        %mul3A_271 = arith.muli %sub3A_269, %mul3A_270 : i32
        %add3A_272 = arith.constant 0 : i32
        %add3A_273 = arith.addi %mul3A_271, %add3A_272 : i32
        %dma_start3A_274 = arith.constant 5 : i32
        %dma_start3A_275 = arith.constant 0 : i32
        %dma_start3A_276 = arith.constant 0 : i32
        %dma_start3A_277 = tpu.memref_slice %arg6[%dma_start3A_274, %dma_start3A_275, %dma_start3A_276] : memref<8x64x128xf32, #tpu.memory_space<vmem>> -> memref<1x64x128xf32, #tpu.memory_space<vmem>>
        %dma_start3A_278 = tpu.memref_squeeze %dma_start3A_277 : memref<1x64x128xf32, #tpu.memory_space<vmem>> -> memref<64x128xf32, #tpu.memory_space<vmem>>
        %dma_start3A_279 = tpu.memref_slice %arg5[%add3A_273] : memref<25600xi32, #tpu.memory_space<vmem>> -> memref<64xi32, #tpu.memory_space<vmem>>
        %dma_start3A_280 = arith.constant 0 : i32
        %dma_start3A_281 = arith.constant 0 : i32
        %dma_start3A_282 = tpu.memref_slice %arg3[%dma_start3A_280, %dma_start3A_281] : memref<400000x128xf32, #tpu.memory_space<hbm>> -> memref<400000x128xf32, #tpu.memory_space<hbm>>
        tpu.enqueue_indirect_dma source(%dma_start3A_282 : memref<400000x128xf32, #tpu.memory_space<hbm>>) target(%dma_start3A_278 : memref<64x128xf32, #tpu.memory_space<vmem>>) offsets(%dma_start3A_279 : memref<64xi32, #tpu.memory_space<vmem>>) semaphore(%arg20 : memref<!tpu.dma_semaphore, #tpu.memory_space<semaphore_mem>>)
      } else {
      }
      %eq3A_228 = arith.constant 6 : i32
      %eq3A_229 = arith.cmpi eq, %rem3A_125, %eq3A_228 : i32
      %convert_element_type3A_230 = arith.extui %eq3A_229 : i1 to i32
      %cond3A_231 = arith.constant 0 : i32
      %cond3A_232 = arith.cmpi ne, %convert_element_type3A_230, %cond3A_231 : i32
      scf.if %cond3A_232 {
        %mul3A_262 = arith.constant 64 : i32
        %mul3A_263 = arith.muli %scan3A_124, %mul3A_262 : i32
        %add3A_264 = arith.constant 0 : i32
        %add3A_265 = arith.addi %mul3A_263, %add3A_264 : i32
        %dma_wait3A_266 = arith.constant 6 : i32
        %dma_wait3A_267 = arith.constant 0 : i32
        %dma_wait3A_268 = arith.constant 0 : i32
        %dma_wait3A_269 = tpu.memref_slice %arg6[%dma_wait3A_266, %dma_wait3A_267, %dma_wait3A_268] : memref<8x64x128xf32, #tpu.memory_space<vmem>> -> memref<1x64x128xf32, #tpu.memory_space<vmem>>
        %dma_wait3A_270 = tpu.memref_squeeze %dma_wait3A_269 : memref<1x64x128xf32, #tpu.memory_space<vmem>> -> memref<64x128xf32, #tpu.memory_space<vmem>>
        %dma_wait3A_271 = tpu.memref_slice %arg5[%add3A_265] : memref<25600xi32, #tpu.memory_space<vmem>> -> memref<64xi32, #tpu.memory_space<vmem>>
        %dma_wait3A_272 = arith.constant 0 : i32
        %dma_wait3A_273 = arith.constant 0 : i32
        %dma_wait3A_274 = tpu.memref_slice %arg3[%dma_wait3A_272, %dma_wait3A_273] : memref<400000x128xf32, #tpu.memory_space<hbm>> -> memref<400000x128xf32, #tpu.memory_space<hbm>>
        tpu.wait_indirect_dma semaphore(%arg21 : memref<!tpu.dma_semaphore, #tpu.memory_space<semaphore_mem>>) src(%dma_wait3A_274 : memref<400000x128xf32, #tpu.memory_space<hbm>>) dst(%dma_wait3A_270 : memref<64x128xf32, #tpu.memory_space<vmem>>)
        %scan3A_275 = arith.constant 0 : i32
        %scan3A_276 = arith.constant 0 : i32
        %scan3A_277 = arith.constant 64 : i32
        %scan3A_278 = arith.addi %scan3A_276, %scan3A_277 : i32
        %scan3A_279 = arith.constant 1 : i32
        scf.for %scan3A_288 = %scan3A_276 to %scan3A_278 step %scan3A_279  : i32 {
          %get3A = arith.constant 6 : i32
          %get3A_289 = arith.index_cast %get3A : i32 to index
          %get3A_290 = arith.index_cast %scan3A_288 : i32 to index
          %get3A_291 = arith.constant 0 : index
          %get3A_292 = tpu.vector_load %arg6[%get3A_289, %get3A_290, %get3A_291] {strides = array<i32>} : memref<8x64x128xf32, #tpu.memory_space<vmem>>, vector<16xf32>,
          %mul3A_293 = arith.constant 50 : i32
          %mul3A_294 = arith.muli %scan3A_288, %mul3A_293 : i32
          %add3A_295 = arith.constant 0 : i32
          %add3A_296 = arith.addi %mul3A_294, %add3A_295 : i32
          %add3A_297 = vector.broadcast %add3A_296 : i32 to vector<16xi32>
          %add3A_298 = arith.addi %add3A_297, %iota3A : vector<16xi32>
          tpu.vector_store_idx %arg13[%add3A_298], %get3A_292 : memref<3200xf32, #tpu.memory_space<vmem>>[vector<16xi32>], vector<16xf32>,
          %get3A_299 = arith.constant 6 : i32
          %get3A_300 = arith.index_cast %get3A_299 : i32 to index
          %get3A_301 = arith.index_cast %scan3A_288 : i32 to index
          %get3A_302 = arith.constant 16 : index
          %get3A_303 = tpu.vector_load %arg6[%get3A_300, %get3A_301, %get3A_302] {strides = array<i32>} : memref<8x64x128xf32, #tpu.memory_space<vmem>>, vector<16xf32>,
          %mul3A_304 = arith.constant 50 : i32
          %mul3A_305 = arith.muli %scan3A_288, %mul3A_304 : i32
          %add3A_306 = arith.constant 16 : i32
          %add3A_307 = arith.addi %mul3A_305, %add3A_306 : i32
          %add3A_308 = vector.broadcast %add3A_307 : i32 to vector<16xi32>
          %add3A_309 = arith.addi %add3A_308, %iota3A : vector<16xi32>
          tpu.vector_store_idx %arg13[%add3A_309], %get3A_303 : memref<3200xf32, #tpu.memory_space<vmem>>[vector<16xi32>], vector<16xf32>,
          %get3A_310 = arith.constant 6 : i32
          %get3A_311 = arith.index_cast %get3A_310 : i32 to index
          %get3A_312 = arith.index_cast %scan3A_288 : i32 to index
          %get3A_313 = arith.constant 32 : index
          %get3A_314 = tpu.vector_load %arg6[%get3A_311, %get3A_312, %get3A_313] {strides = array<i32>} : memref<8x64x128xf32, #tpu.memory_space<vmem>>, vector<16xf32>,
          %mul3A_315 = arith.constant 50 : i32
          %mul3A_316 = arith.muli %scan3A_288, %mul3A_315 : i32
          %add3A_317 = arith.constant 32 : i32
          %add3A_318 = arith.addi %mul3A_316, %add3A_317 : i32
          %add3A_319 = vector.broadcast %add3A_318 : i32 to vector<16xi32>
          %add3A_320 = arith.addi %add3A_319, %iota3A : vector<16xi32>
          tpu.vector_store_idx %arg13[%add3A_320], %get3A_314 : memref<3200xf32, #tpu.memory_space<vmem>>[vector<16xi32>], vector<16xf32>,
          %get3A_321 = arith.constant 6 : i32
          %get3A_322 = arith.index_cast %get3A_321 : i32 to index
          %get3A_323 = arith.index_cast %scan3A_288 : i32 to index
          %get3A_324 = arith.constant 48 : index
          %get3A_325 = tpu.vector_load %arg6[%get3A_322, %get3A_323, %get3A_324] {strides = array<i32>} : memref<8x64x128xf32, #tpu.memory_space<vmem>>, vector<16xf32>,
          %mul3A_326 = arith.constant 50 : i32
          %mul3A_327 = arith.muli %scan3A_288, %mul3A_326 : i32
          %add3A_328 = arith.constant 48 : i32
          %add3A_329 = arith.addi %mul3A_327, %add3A_328 : i32
          %add3A_330 = vector.broadcast %add3A_329 : i32 to vector<16xi32>
          %add3A_331 = arith.addi %add3A_330, %iota3A : vector<16xi32>
          %lt3A_332 = arith.constant 2 : i32
          %lt3A_333 = vector.broadcast %lt3A_332 : i32 to vector<16xi32>
          %lt3A_334 = arith.cmpi slt, %iota3A, %lt3A_333 : vector<16xi32>
          tpu.vector_store_idx %arg13[%add3A_331], %get3A_325 masked %lt3A_334 : memref<3200xf32, #tpu.memory_space<vmem>>[vector<16xi32>], vector<16xf32>, vector<16xi1>
        }
        %scan3A_280 = arith.constant 64 : i32
        %mul3A_281 = arith.constant 64 : i32
        %mul3A_282 = arith.muli %scan3A_124, %mul3A_281 : i32
        %add3A_283 = arith.addi %mul3A_2, %mul3A_282 : i32
        %mul3A_284 = arith.constant 50 : i32
        %mul3A_285 = arith.muli %add3A_283, %mul3A_284 : i32
        %dma_start3A_286 = tpu.memref_slice %arg4[%mul3A_285] : memref<40960000xf32, #tpu.memory_space<hbm>> -> memref<3200xf32, #tpu.memory_space<hbm>>
        %dma_start3A_287 = tpu.memref_slice %arg4[%mul3A_285] : memref<40960000xf32, #tpu.memory_space<hbm>> -> memref<3200xf32, #tpu.memory_space<hbm>>
        tpu.enqueue_dma source(%arg13 : memref<3200xf32, #tpu.memory_space<vmem>>) target(%dma_start3A_287 : memref<3200xf32, #tpu.memory_space<hbm>>) target_semaphore(%arg29 : memref<!tpu.dma_semaphore, #tpu.memory_space<semaphore_mem>>)
      } else {
      }
      %eq3A_233 = arith.constant 6 : i32
      %eq3A_234 = arith.cmpi eq, %rem3A_130, %eq3A_233 : i32
      %add3A_235 = arith.constant 8 : i32
      %add3A_236 = arith.addi %scan3A_124, %add3A_235 : i32
      %sub3A_237 = arith.constant 1 : i32
      %sub3A_238 = arith.subi %add3A_236, %sub3A_237 : i32
      %lt3A_239 = arith.constant 400 : i32
      %lt3A_240 = arith.cmpi slt, %sub3A_238, %lt3A_239 : i32
      %and3A_241 = arith.andi %eq3A_234, %lt3A_240 : i1
      %convert_element_type3A_242 = arith.extui %and3A_241 : i1 to i32
      %cond3A_243 = arith.constant 0 : i32
      %cond3A_244 = arith.cmpi ne, %convert_element_type3A_242, %cond3A_243 : i32
      scf.if %cond3A_244 {
        %ge3A = arith.constant 1 : i32
        %ge3A_262 = arith.cmpi sge, %scan3A_124, %ge3A : i32
        %convert_element_type3A_263 = arith.extui %ge3A_262 : i1 to i32
        %cond3A_264 = arith.constant 0 : i32
        %cond3A_265 = arith.cmpi ne, %convert_element_type3A_263, %cond3A_264 : i32
        scf.if %cond3A_265 {
          %sub3A_283 = arith.constant 1 : i32
          %sub3A_284 = arith.subi %scan3A_124, %sub3A_283 : i32
          %mul3A_285 = arith.constant 64 : i32
          %mul3A_286 = arith.muli %sub3A_284, %mul3A_285 : i32
          %add3A_287 = arith.addi %mul3A_2, %mul3A_286 : i32
          %mul3A_288 = arith.constant 50 : i32
          %mul3A_289 = arith.muli %add3A_287, %mul3A_288 : i32
          %dma_wait3A_290 = tpu.memref_slice %arg4[%mul3A_289] : memref<40960000xf32, #tpu.memory_space<hbm>> -> memref<3200xf32, #tpu.memory_space<hbm>>
          %dma_wait3A_291 = tpu.memref_slice %arg4[%mul3A_289] : memref<40960000xf32, #tpu.memory_space<hbm>> -> memref<3200xf32, #tpu.memory_space<hbm>>
          tpu.wait_dma2 semaphore(%arg29 : memref<!tpu.dma_semaphore, #tpu.memory_space<semaphore_mem>>) src(%arg13 : memref<3200xf32, #tpu.memory_space<vmem>>) dst(%dma_wait3A_291 : memref<3200xf32, #tpu.memory_space<hbm>>)
        } else {
        }
        %add3A_266 = arith.constant 8 : i32
        %add3A_267 = arith.addi %scan3A_124, %add3A_266 : i32
        %sub3A_268 = arith.constant 1 : i32
        %sub3A_269 = arith.subi %add3A_267, %sub3A_268 : i32
        %mul3A_270 = arith.constant 64 : i32
        %mul3A_271 = arith.muli %sub3A_269, %mul3A_270 : i32
        %add3A_272 = arith.constant 0 : i32
        %add3A_273 = arith.addi %mul3A_271, %add3A_272 : i32
        %dma_start3A_274 = arith.constant 6 : i32
        %dma_start3A_275 = arith.constant 0 : i32
        %dma_start3A_276 = arith.constant 0 : i32
        %dma_start3A_277 = tpu.memref_slice %arg6[%dma_start3A_274, %dma_start3A_275, %dma_start3A_276] : memref<8x64x128xf32, #tpu.memory_space<vmem>> -> memref<1x64x128xf32, #tpu.memory_space<vmem>>
        %dma_start3A_278 = tpu.memref_squeeze %dma_start3A_277 : memref<1x64x128xf32, #tpu.memory_space<vmem>> -> memref<64x128xf32, #tpu.memory_space<vmem>>
        %dma_start3A_279 = tpu.memref_slice %arg5[%add3A_273] : memref<25600xi32, #tpu.memory_space<vmem>> -> memref<64xi32, #tpu.memory_space<vmem>>
        %dma_start3A_280 = arith.constant 0 : i32
        %dma_start3A_281 = arith.constant 0 : i32
        %dma_start3A_282 = tpu.memref_slice %arg3[%dma_start3A_280, %dma_start3A_281] : memref<400000x128xf32, #tpu.memory_space<hbm>> -> memref<400000x128xf32, #tpu.memory_space<hbm>>
        tpu.enqueue_indirect_dma source(%dma_start3A_282 : memref<400000x128xf32, #tpu.memory_space<hbm>>) target(%dma_start3A_278 : memref<64x128xf32, #tpu.memory_space<vmem>>) offsets(%dma_start3A_279 : memref<64xi32, #tpu.memory_space<vmem>>) semaphore(%arg21 : memref<!tpu.dma_semaphore, #tpu.memory_space<semaphore_mem>>)
      } else {
      }
      %eq3A_245 = arith.constant 7 : i32
      %eq3A_246 = arith.cmpi eq, %rem3A_125, %eq3A_245 : i32
      %convert_element_type3A_247 = arith.extui %eq3A_246 : i1 to i32
      %cond3A_248 = arith.constant 0 : i32
      %cond3A_249 = arith.cmpi ne, %convert_element_type3A_247, %cond3A_248 : i32
      scf.if %cond3A_249 {
        %mul3A_262 = arith.constant 64 : i32
        %mul3A_263 = arith.muli %scan3A_124, %mul3A_262 : i32
        %add3A_264 = arith.constant 0 : i32
        %add3A_265 = arith.addi %mul3A_263, %add3A_264 : i32
        %dma_wait3A_266 = arith.constant 7 : i32
        %dma_wait3A_267 = arith.constant 0 : i32
        %dma_wait3A_268 = arith.constant 0 : i32
        %dma_wait3A_269 = tpu.memref_slice %arg6[%dma_wait3A_266, %dma_wait3A_267, %dma_wait3A_268] : memref<8x64x128xf32, #tpu.memory_space<vmem>> -> memref<1x64x128xf32, #tpu.memory_space<vmem>>
        %dma_wait3A_270 = tpu.memref_squeeze %dma_wait3A_269 : memref<1x64x128xf32, #tpu.memory_space<vmem>> -> memref<64x128xf32, #tpu.memory_space<vmem>>
        %dma_wait3A_271 = tpu.memref_slice %arg5[%add3A_265] : memref<25600xi32, #tpu.memory_space<vmem>> -> memref<64xi32, #tpu.memory_space<vmem>>
        %dma_wait3A_272 = arith.constant 0 : i32
        %dma_wait3A_273 = arith.constant 0 : i32
        %dma_wait3A_274 = tpu.memref_slice %arg3[%dma_wait3A_272, %dma_wait3A_273] : memref<400000x128xf32, #tpu.memory_space<hbm>> -> memref<400000x128xf32, #tpu.memory_space<hbm>>
        tpu.wait_indirect_dma semaphore(%arg22 : memref<!tpu.dma_semaphore, #tpu.memory_space<semaphore_mem>>) src(%dma_wait3A_274 : memref<400000x128xf32, #tpu.memory_space<hbm>>) dst(%dma_wait3A_270 : memref<64x128xf32, #tpu.memory_space<vmem>>)
        %scan3A_275 = arith.constant 0 : i32
        %scan3A_276 = arith.constant 0 : i32
        %scan3A_277 = arith.constant 64 : i32
        %scan3A_278 = arith.addi %scan3A_276, %scan3A_277 : i32
        %scan3A_279 = arith.constant 1 : i32
        scf.for %scan3A_288 = %scan3A_276 to %scan3A_278 step %scan3A_279  : i32 {
          %get3A = arith.constant 7 : i32
          %get3A_289 = arith.index_cast %get3A : i32 to index
          %get3A_290 = arith.index_cast %scan3A_288 : i32 to index
          %get3A_291 = arith.constant 0 : index
          %get3A_292 = tpu.vector_load %arg6[%get3A_289, %get3A_290, %get3A_291] {strides = array<i32>} : memref<8x64x128xf32, #tpu.memory_space<vmem>>, vector<16xf32>,
          %mul3A_293 = arith.constant 50 : i32
          %mul3A_294 = arith.muli %scan3A_288, %mul3A_293 : i32
          %add3A_295 = arith.constant 0 : i32
          %add3A_296 = arith.addi %mul3A_294, %add3A_295 : i32
          %add3A_297 = vector.broadcast %add3A_296 : i32 to vector<16xi32>
          %add3A_298 = arith.addi %add3A_297, %iota3A : vector<16xi32>
          tpu.vector_store_idx %arg14[%add3A_298], %get3A_292 : memref<3200xf32, #tpu.memory_space<vmem>>[vector<16xi32>], vector<16xf32>,
          %get3A_299 = arith.constant 7 : i32
          %get3A_300 = arith.index_cast %get3A_299 : i32 to index
          %get3A_301 = arith.index_cast %scan3A_288 : i32 to index
          %get3A_302 = arith.constant 16 : index
          %get3A_303 = tpu.vector_load %arg6[%get3A_300, %get3A_301, %get3A_302] {strides = array<i32>} : memref<8x64x128xf32, #tpu.memory_space<vmem>>, vector<16xf32>,
          %mul3A_304 = arith.constant 50 : i32
          %mul3A_305 = arith.muli %scan3A_288, %mul3A_304 : i32
          %add3A_306 = arith.constant 16 : i32
          %add3A_307 = arith.addi %mul3A_305, %add3A_306 : i32
          %add3A_308 = vector.broadcast %add3A_307 : i32 to vector<16xi32>
          %add3A_309 = arith.addi %add3A_308, %iota3A : vector<16xi32>
          tpu.vector_store_idx %arg14[%add3A_309], %get3A_303 : memref<3200xf32, #tpu.memory_space<vmem>>[vector<16xi32>], vector<16xf32>,
          %get3A_310 = arith.constant 7 : i32
          %get3A_311 = arith.index_cast %get3A_310 : i32 to index
          %get3A_312 = arith.index_cast %scan3A_288 : i32 to index
          %get3A_313 = arith.constant 32 : index
          %get3A_314 = tpu.vector_load %arg6[%get3A_311, %get3A_312, %get3A_313] {strides = array<i32>} : memref<8x64x128xf32, #tpu.memory_space<vmem>>, vector<16xf32>,
          %mul3A_315 = arith.constant 50 : i32
          %mul3A_316 = arith.muli %scan3A_288, %mul3A_315 : i32
          %add3A_317 = arith.constant 32 : i32
          %add3A_318 = arith.addi %mul3A_316, %add3A_317 : i32
          %add3A_319 = vector.broadcast %add3A_318 : i32 to vector<16xi32>
          %add3A_320 = arith.addi %add3A_319, %iota3A : vector<16xi32>
          tpu.vector_store_idx %arg14[%add3A_320], %get3A_314 : memref<3200xf32, #tpu.memory_space<vmem>>[vector<16xi32>], vector<16xf32>,
          %get3A_321 = arith.constant 7 : i32
          %get3A_322 = arith.index_cast %get3A_321 : i32 to index
          %get3A_323 = arith.index_cast %scan3A_288 : i32 to index
          %get3A_324 = arith.constant 48 : index
          %get3A_325 = tpu.vector_load %arg6[%get3A_322, %get3A_323, %get3A_324] {strides = array<i32>} : memref<8x64x128xf32, #tpu.memory_space<vmem>>, vector<16xf32>,
          %mul3A_326 = arith.constant 50 : i32
          %mul3A_327 = arith.muli %scan3A_288, %mul3A_326 : i32
          %add3A_328 = arith.constant 48 : i32
          %add3A_329 = arith.addi %mul3A_327, %add3A_328 : i32
          %add3A_330 = vector.broadcast %add3A_329 : i32 to vector<16xi32>
          %add3A_331 = arith.addi %add3A_330, %iota3A : vector<16xi32>
          %lt3A_332 = arith.constant 2 : i32
          %lt3A_333 = vector.broadcast %lt3A_332 : i32 to vector<16xi32>
          %lt3A_334 = arith.cmpi slt, %iota3A, %lt3A_333 : vector<16xi32>
          tpu.vector_store_idx %arg14[%add3A_331], %get3A_325 masked %lt3A_334 : memref<3200xf32, #tpu.memory_space<vmem>>[vector<16xi32>], vector<16xf32>, vector<16xi1>
        }
        %scan3A_280 = arith.constant 64 : i32
        %mul3A_281 = arith.constant 64 : i32
        %mul3A_282 = arith.muli %scan3A_124, %mul3A_281 : i32
        %add3A_283 = arith.addi %mul3A_2, %mul3A_282 : i32
        %mul3A_284 = arith.constant 50 : i32
        %mul3A_285 = arith.muli %add3A_283, %mul3A_284 : i32
        %dma_start3A_286 = tpu.memref_slice %arg4[%mul3A_285] : memref<40960000xf32, #tpu.memory_space<hbm>> -> memref<3200xf32, #tpu.memory_space<hbm>>
        %dma_start3A_287 = tpu.memref_slice %arg4[%mul3A_285] : memref<40960000xf32, #tpu.memory_space<hbm>> -> memref<3200xf32, #tpu.memory_space<hbm>>
        tpu.enqueue_dma source(%arg14 : memref<3200xf32, #tpu.memory_space<vmem>>) target(%dma_start3A_287 : memref<3200xf32, #tpu.memory_space<hbm>>) target_semaphore(%arg30 : memref<!tpu.dma_semaphore, #tpu.memory_space<semaphore_mem>>)
      } else {
      }
      %eq3A_250 = arith.constant 7 : i32
      %eq3A_251 = arith.cmpi eq, %rem3A_130, %eq3A_250 : i32
      %add3A_252 = arith.constant 8 : i32
      %add3A_253 = arith.addi %scan3A_124, %add3A_252 : i32
      %sub3A_254 = arith.constant 1 : i32
      %sub3A_255 = arith.subi %add3A_253, %sub3A_254 : i32
      %lt3A_256 = arith.constant 400 : i32
      %lt3A_257 = arith.cmpi slt, %sub3A_255, %lt3A_256 : i32
      %and3A_258 = arith.andi %eq3A_251, %lt3A_257 : i1
      %convert_element_type3A_259 = arith.extui %and3A_258 : i1 to i32
      %cond3A_260 = arith.constant 0 : i32
      %cond3A_261 = arith.cmpi ne, %convert_element_type3A_259, %cond3A_260 : i32
      scf.if %cond3A_261 {
        %ge3A = arith.constant 1 : i32
        %ge3A_262 = arith.cmpi sge, %scan3A_124, %ge3A : i32
        %convert_element_type3A_263 = arith.extui %ge3A_262 : i1 to i32
        %cond3A_264 = arith.constant 0 : i32
        %cond3A_265 = arith.cmpi ne, %convert_element_type3A_263, %cond3A_264 : i32
        scf.if %cond3A_265 {
          %sub3A_283 = arith.constant 1 : i32
          %sub3A_284 = arith.subi %scan3A_124, %sub3A_283 : i32
          %mul3A_285 = arith.constant 64 : i32
          %mul3A_286 = arith.muli %sub3A_284, %mul3A_285 : i32
          %add3A_287 = arith.addi %mul3A_2, %mul3A_286 : i32
          %mul3A_288 = arith.constant 50 : i32
          %mul3A_289 = arith.muli %add3A_287, %mul3A_288 : i32
          %dma_wait3A_290 = tpu.memref_slice %arg4[%mul3A_289] : memref<40960000xf32, #tpu.memory_space<hbm>> -> memref<3200xf32, #tpu.memory_space<hbm>>
          %dma_wait3A_291 = tpu.memref_slice %arg4[%mul3A_289] : memref<40960000xf32, #tpu.memory_space<hbm>> -> memref<3200xf32, #tpu.memory_space<hbm>>
          tpu.wait_dma2 semaphore(%arg30 : memref<!tpu.dma_semaphore, #tpu.memory_space<semaphore_mem>>) src(%arg14 : memref<3200xf32, #tpu.memory_space<vmem>>) dst(%dma_wait3A_291 : memref<3200xf32, #tpu.memory_space<hbm>>)
        } else {
        }
        %add3A_266 = arith.constant 8 : i32
        %add3A_267 = arith.addi %scan3A_124, %add3A_266 : i32
        %sub3A_268 = arith.constant 1 : i32
        %sub3A_269 = arith.subi %add3A_267, %sub3A_268 : i32
        %mul3A_270 = arith.constant 64 : i32
        %mul3A_271 = arith.muli %sub3A_269, %mul3A_270 : i32
        %add3A_272 = arith.constant 0 : i32
        %add3A_273 = arith.addi %mul3A_271, %add3A_272 : i32
        %dma_start3A_274 = arith.constant 7 : i32
        %dma_start3A_275 = arith.constant 0 : i32
        %dma_start3A_276 = arith.constant 0 : i32
        %dma_start3A_277 = tpu.memref_slice %arg6[%dma_start3A_274, %dma_start3A_275, %dma_start3A_276] : memref<8x64x128xf32, #tpu.memory_space<vmem>> -> memref<1x64x128xf32, #tpu.memory_space<vmem>>
        %dma_start3A_278 = tpu.memref_squeeze %dma_start3A_277 : memref<1x64x128xf32, #tpu.memory_space<vmem>> -> memref<64x128xf32, #tpu.memory_space<vmem>>
        %dma_start3A_279 = tpu.memref_slice %arg5[%add3A_273] : memref<25600xi32, #tpu.memory_space<vmem>> -> memref<64xi32, #tpu.memory_space<vmem>>
        %dma_start3A_280 = arith.constant 0 : i32
        %dma_start3A_281 = arith.constant 0 : i32
        %dma_start3A_282 = tpu.memref_slice %arg3[%dma_start3A_280, %dma_start3A_281] : memref<400000x128xf32, #tpu.memory_space<hbm>> -> memref<400000x128xf32, #tpu.memory_space<hbm>>
        tpu.enqueue_indirect_dma source(%dma_start3A_282 : memref<400000x128xf32, #tpu.memory_space<hbm>>) target(%dma_start3A_278 : memref<64x128xf32, #tpu.memory_space<vmem>>) offsets(%dma_start3A_279 : memref<64xi32, #tpu.memory_space<vmem>>) semaphore(%arg22 : memref<!tpu.dma_semaphore, #tpu.memory_space<semaphore_mem>>)
      } else {
      }
    }
    %scan3A_76 = arith.constant 400 : i32
    %add3A_77 = arith.constant 25088 : i32
    %add3A_78 = arith.addi %mul3A_2, %add3A_77 : i32
    %mul3A_79 = arith.constant 50 : i32
    %mul3A_80 = arith.muli %add3A_78, %mul3A_79 : i32
    %dma_wait3A = tpu.memref_slice %arg4[%mul3A_80] : memref<40960000xf32, #tpu.memory_space<hbm>> -> memref<3200xf32, #tpu.memory_space<hbm>>
    %dma_wait3A_81 = tpu.memref_slice %arg4[%mul3A_80] : memref<40960000xf32, #tpu.memory_space<hbm>> -> memref<3200xf32, #tpu.memory_space<hbm>>
    tpu.wait_dma2 semaphore(%arg23 : memref<!tpu.dma_semaphore, #tpu.memory_space<semaphore_mem>>) src(%arg7 : memref<3200xf32, #tpu.memory_space<vmem>>) dst(%dma_wait3A_81 : memref<3200xf32, #tpu.memory_space<hbm>>)
    %add3A_82 = arith.constant 25152 : i32
    %add3A_83 = arith.addi %mul3A_2, %add3A_82 : i32
    %mul3A_84 = arith.constant 50 : i32
    %mul3A_85 = arith.muli %add3A_83, %mul3A_84 : i32
    %dma_wait3A_86 = tpu.memref_slice %arg4[%mul3A_85] : memref<40960000xf32, #tpu.memory_space<hbm>> -> memref<3200xf32, #tpu.memory_space<hbm>>
    %dma_wait3A_87 = tpu.memref_slice %arg4[%mul3A_85] : memref<40960000xf32, #tpu.memory_space<hbm>> -> memref<3200xf32, #tpu.memory_space<hbm>>
    tpu.wait_dma2 semaphore(%arg24 : memref<!tpu.dma_semaphore, #tpu.memory_space<semaphore_mem>>) src(%arg8 : memref<3200xf32, #tpu.memory_space<vmem>>) dst(%dma_wait3A_87 : memref<3200xf32, #tpu.memory_space<hbm>>)
    %add3A_88 = arith.constant 25216 : i32
    %add3A_89 = arith.addi %mul3A_2, %add3A_88 : i32
    %mul3A_90 = arith.constant 50 : i32
    %mul3A_91 = arith.muli %add3A_89, %mul3A_90 : i32
    %dma_wait3A_92 = tpu.memref_slice %arg4[%mul3A_91] : memref<40960000xf32, #tpu.memory_space<hbm>> -> memref<3200xf32, #tpu.memory_space<hbm>>
    %dma_wait3A_93 = tpu.memref_slice %arg4[%mul3A_91] : memref<40960000xf32, #tpu.memory_space<hbm>> -> memref<3200xf32, #tpu.memory_space<hbm>>
    tpu.wait_dma2 semaphore(%arg25 : memref<!tpu.dma_semaphore, #tpu.memory_space<semaphore_mem>>) src(%arg9 : memref<3200xf32, #tpu.memory_space<vmem>>) dst(%dma_wait3A_93 : memref<3200xf32, #tpu.memory_space<hbm>>)
    %add3A_94 = arith.constant 25280 : i32
    %add3A_95 = arith.addi %mul3A_2, %add3A_94 : i32
    %mul3A_96 = arith.constant 50 : i32
    %mul3A_97 = arith.muli %add3A_95, %mul3A_96 : i32
    %dma_wait3A_98 = tpu.memref_slice %arg4[%mul3A_97] : memref<40960000xf32, #tpu.memory_space<hbm>> -> memref<3200xf32, #tpu.memory_space<hbm>>
    %dma_wait3A_99 = tpu.memref_slice %arg4[%mul3A_97] : memref<40960000xf32, #tpu.memory_space<hbm>> -> memref<3200xf32, #tpu.memory_space<hbm>>
    tpu.wait_dma2 semaphore(%arg26 : memref<!tpu.dma_semaphore, #tpu.memory_space<semaphore_mem>>) src(%arg10 : memref<3200xf32, #tpu.memory_space<vmem>>) dst(%dma_wait3A_99 : memref<3200xf32, #tpu.memory_space<hbm>>)
    %add3A_100 = arith.constant 25344 : i32
    %add3A_101 = arith.addi %mul3A_2, %add3A_100 : i32
    %mul3A_102 = arith.constant 50 : i32
    %mul3A_103 = arith.muli %add3A_101, %mul3A_102 : i32
    %dma_wait3A_104 = tpu.memref_slice %arg4[%mul3A_103] : memref<40960000xf32, #tpu.memory_space<hbm>> -> memref<3200xf32, #tpu.memory_space<hbm>>
    %dma_wait3A_105 = tpu.memref_slice %arg4[%mul3A_103] : memref<40960000xf32, #tpu.memory_space<hbm>> -> memref<3200xf32, #tpu.memory_space<hbm>>
    tpu.wait_dma2 semaphore(%arg27 : memref<!tpu.dma_semaphore, #tpu.memory_space<semaphore_mem>>) src(%arg11 : memref<3200xf32, #tpu.memory_space<vmem>>) dst(%dma_wait3A_105 : memref<3200xf32, #tpu.memory_space<hbm>>)
    %add3A_106 = arith.constant 25408 : i32
    %add3A_107 = arith.addi %mul3A_2, %add3A_106 : i32
    %mul3A_108 = arith.constant 50 : i32
    %mul3A_109 = arith.muli %add3A_107, %mul3A_108 : i32
    %dma_wait3A_110 = tpu.memref_slice %arg4[%mul3A_109] : memref<40960000xf32, #tpu.memory_space<hbm>> -> memref<3200xf32, #tpu.memory_space<hbm>>
    %dma_wait3A_111 = tpu.memref_slice %arg4[%mul3A_109] : memref<40960000xf32, #tpu.memory_space<hbm>> -> memref<3200xf32, #tpu.memory_space<hbm>>
    tpu.wait_dma2 semaphore(%arg28 : memref<!tpu.dma_semaphore, #tpu.memory_space<semaphore_mem>>) src(%arg12 : memref<3200xf32, #tpu.memory_space<vmem>>) dst(%dma_wait3A_111 : memref<3200xf32, #tpu.memory_space<hbm>>)
    %add3A_112 = arith.constant 25472 : i32
    %add3A_113 = arith.addi %mul3A_2, %add3A_112 : i32
    %mul3A_114 = arith.constant 50 : i32
    %mul3A_115 = arith.muli %add3A_113, %mul3A_114 : i32
    %dma_wait3A_116 = tpu.memref_slice %arg4[%mul3A_115] : memref<40960000xf32, #tpu.memory_space<hbm>> -> memref<3200xf32, #tpu.memory_space<hbm>>
    %dma_wait3A_117 = tpu.memref_slice %arg4[%mul3A_115] : memref<40960000xf32, #tpu.memory_space<hbm>> -> memref<3200xf32, #tpu.memory_space<hbm>>
    tpu.wait_dma2 semaphore(%arg29 : memref<!tpu.dma_semaphore, #tpu.memory_space<semaphore_mem>>) src(%arg13 : memref<3200xf32, #tpu.memory_space<vmem>>) dst(%dma_wait3A_117 : memref<3200xf32, #tpu.memory_space<hbm>>)
    %add3A_118 = arith.constant 25536 : i32
    %add3A_119 = arith.addi %mul3A_2, %add3A_118 : i32
    %mul3A_120 = arith.constant 50 : i32
    %mul3A_121 = arith.muli %add3A_119, %mul3A_120 : i32
    %dma_wait3A_122 = tpu.memref_slice %arg4[%mul3A_121] : memref<40960000xf32, #tpu.memory_space<hbm>> -> memref<3200xf32, #tpu.memory_space<hbm>>
    %dma_wait3A_123 = tpu.memref_slice %arg4[%mul3A_121] : memref<40960000xf32, #tpu.memory_space<hbm>> -> memref<3200xf32, #tpu.memory_space<hbm>>
    tpu.wait_dma2 semaphore(%arg30 : memref<!tpu.dma_semaphore, #tpu.memory_space<semaphore_mem>>) src(%arg14 : memref<3200xf32, #tpu.memory_space<vmem>>) dst(%dma_wait3A_123 : memref<3200xf32, #tpu.memory_space<hbm>>)
    return
  }
}

</mosaic_0001>

<sc_bundles>
// kernel: kernel.3.cloned.1.call-start
scs
__scs_entry_jumppad:
0x0: {  	(pc) =	sbr.rel $0x88, $3  }
0x1: {  	(tag) =	ssettag $0x0;
	lr =	simm.s32 $0x1  }
0x2: {  	[smem:$0x3F9F] =	sst lr;
	_ =	strace $0xD0000000  }
0x3: {  	_ = 	snop  }
0x4: {  	_ = 	snop  }
0x5: {  	_ = 	snop  }
0x6: {  	_ = 	snop  }
0x7: {  	_ = 	snop  }
__scs_overlays_trampoline_lowered:
0x8: {  	[smem:$0x3FAE] =	sst s0  }
0x9: {  	[smem:$0x3FAF] =	sst s1  }
0xa: {  	[smem:$0x3FB0] =	sst s2  }
0xb: {  	[smem:$0x3FB1] =	sst s3  }
0xc: {  	[smem:$0x3FB2] =	sst s4  }
0xd: {  	[smem:$0x3FB3] =	sst s5  }
0xe: {  	[smem:$0x3FB4] =	sst s6  }
0xf: {  	[smem:$0x3FB5] =	sst s7  }
0x10: {  	[smem:$0x3FB6] =	sst s8  }
0x11: {  	[smem:$0x3FB7] =	sst s9;
	s0 =	simm.s32 @!p0 $0x0  }
0x12: {  	s1 =	sld [smem:$0x3F9D];
	s0 =	simm.s32 @p0 $0x1  }
0x13: {  	[smem:$0x3FB8] =	sst s0;
	s0 =	simm.s32 @!p1 $0x0  }
0x14: {  	s2 =	sld [smem:$0x3F9C];
	s0 =	simm.s32 @p1 $0x1  }
0x15: {  	[smem:$0x3FB9] =	sst s0;
	s0 =	simm.s32 @!p2 $0x0  }
0x16: {  	s3 =	sld [smem:$0x3FDB];
	s0 =	simm.s32 @p2 $0x1  }
0x17: {  	s4 =	simm.s32 $0x1BF5;
	[smem:$0x3FBB] =	sst s0  }
0x18: {  	s0 =	sld [smem:$0x3F9E];
	_ =	swait.ge [sflag:s4], $0x0  }
0x19: {  	s7 =	sld [smem:$0x3F9F]  }
0x1a: {  	s8 =	sadd.s32 $0xFFFFE003, lr  }
0x1b: {  	s9 =	sadd.s32 $0xFFFFFEF7, lr;
	s5 =	simm.s32 $0xFFFFFFFF;
	p2 =	slt.u32 s8, $0xFFFFF086  }
0x1c: {  	p1 =	slt.u32 s9, $0xF7A;
	s5 =	simm.s32 @!p2 $0x0  }
0x1d: {  	s5 =	simm.s32 @p1 $0x1;
	p0 =	seq.s32 s7, s2  }
0x1e: {  	s7 =	smul.u32 @!p0 $0xF7A, s2;
	p2 =	seq.s32 @!p0 s5, $0x0  }
0x1f: {  	s9 =	smul.u32 $0xF7A, s1;
	s8 =	simm.s32 @!p0 $0x1BF5;
	p2 =	por !p2, p0  }
0x20: {  	[sflag:s8] =	ssyncset.s32 @!p0 $0xFFFFF086;
	s6 =	sadd.s32 @!p0 s3, s7;
	s7 =	simm.s32 @!p0 $0x108  }
0x21: {  	s3 =	sadd.s32 s3, s9;
	s6 =	sadd.s32 @!p0 $0x88, s6;
	s7 =	simm.s32 @p2 $0x1082  }
0x22: {  	[simem:s7], [sflag:s8] =	dma.local @!p0 [hbm:s6], $0xF7A  }
0x23: {  	s9 =	sor.u32 $0xD0000000, s2;
	s6 =	simm.s32 $0x108;
	_ =	swait.ge @!p0 [sflag:s8], $0x0  }
0x24: {  	s3 =	sadd.s32 $0x88, s3;
	s6 =	simm.s32 @!p1 $0x1082;
	[sflag:s4] =	ssyncset.s32 $0xFFFFF086  }
0x25: {  	[simem:s6], [sflag:s4] =	dma.local [hbm:s3], $0xF7A  }
0x26: {  	[smem:$0x3F9F] =	sst s1;
	(tag) =	ssettag s2;
	_ =	strace s9  }
0x27: {  	s1 =	sld [smem:$0x3FAF]  }
0x28: {  	s2 =	sld [smem:$0x3FB0]  }
0x29: {  	s4 =	sld [smem:$0x3FB2]  }
0x2a: {  	p0 =	seq.s32 s5, $0x0;
	s5 =	sld [smem:$0x3FB3]  }
0x2b: {  	s6 =	sld [smem:$0x3FB4]  }
0x2c: {  	s7 =	sld [smem:$0x3FB5]  }
0x2d: {  	s3 =	simm.s32 $0x108;
	s8 =	sld [smem:$0x3FB6]  }
0x2e: {  	s3 =	simm.s32 @!p0 $0x1082;
	s9 =	sld [smem:$0x3FB7]  }
0x2f: {  	lr =	sadd.s32 s0, s3;
	s0 =	sld [smem:$0x3FAE]  }
0x30: {  	s3 =	sld [smem:$0x3FB1]  }
0x31: {  	[smem:$0x3FBA] =	sst s10  }
0x32: {  	s10 =	sld [smem:$0x3FB8];
	_ =	sdelay $0x3  }
0x33: {  	p0 =	seq.s32 s10, $0x1;
	s10 =	sld [smem:$0x3FBA];
	_ =	sdelay $0x3  }
0x34: {  	[smem:$0x3FBA] =	sst s10  }
0x35: {  	s10 =	sld [smem:$0x3FB9];
	_ =	sdelay $0x3  }
0x36: {  	p1 =	seq.s32 s10, $0x1;
	s10 =	sld [smem:$0x3FBA];
	_ =	sdelay $0x3  }
0x37: {  	[smem:$0x3FBA] =	sst s10  }
0x38: {  	s10 =	sld [smem:$0x3FBB]  }
0x39: {  	_ = 	snop;
	(pc) =	sbr.ind lr, $3  }
0x3a: {  	_ = 	snop  }
0x3b: {  	_ = 	snop  }
0x3c: {  	p2 =	seq.s32 s10, $0x1;
	s10 =	sld [smem:$0x3FBA]  }
0x3d: {  	_ =	shalt  }
0x3e: {  	_ =	shalt  }
0x3f: {  	_ =	shalt  }
0x40: {  	_ =	shalt  }
0x41: {  	_ =	shalt  }
0x42: {  	_ =	shalt  }
0x43: {  	_ =	shalt  }
0x44: {  	_ =	shalt  }
0x45: {  	_ =	shalt  }
0x46: {  	_ =	shalt  }
0x47: {  	_ =	shalt  }
0x48: {  	_ =	shalt  }
0x49: {  	_ =	shalt  }
0x4a: {  	_ =	shalt  }
0x4b: {  	_ =	shalt  }
0x4c: {  	_ =	shalt  }
0x4d: {  	_ =	shalt  }
0x4e: {  	_ =	shalt  }
0x4f: {  	_ =	shalt  }
0x50: {  	_ =	shalt  }
0x51: {  	_ =	shalt  }
0x52: {  	_ =	shalt  }
0x53: {  	_ =	shalt  }
0x54: {  	_ =	shalt  }
0x55: {  	_ =	shalt  }
0x56: {  	_ =	shalt  }
0x57: {  	_ =	shalt  }
0x58: {  	_ =	shalt  }
0x59: {  	_ =	shalt  }
0x5a: {  	_ =	shalt  }
0x5b: {  	_ =	shalt  }
0x5c: {  	_ =	shalt  }
0x5d: {  	_ =	shalt  }
0x5e: {  	_ =	shalt  }
0x5f: {  	_ =	shalt  }
0x60: {  	_ =	shalt  }
0x61: {  	_ =	shalt  }
0x62: {  	_ =	shalt  }
0x63: {  	_ =	shalt  }
0x64: {  	_ =	shalt  }
0x65: {  	_ =	shalt  }
0x66: {  	_ =	shalt  }
0x67: {  	_ =	shalt  }
0x68: {  	_ =	shalt  }
0x69: {  	_ =	shalt  }
0x6a: {  	_ =	shalt  }
0x6b: {  	_ =	shalt  }
0x6c: {  	_ =	shalt  }
0x6d: {  	_ =	shalt  }
0x6e: {  	_ =	shalt  }
0x6f: {  	_ =	shalt  }
0x70: {  	_ =	shalt  }
0x71: {  	_ =	shalt  }
0x72: {  	_ =	shalt  }
0x73: {  	_ =	shalt  }
0x74: {  	_ =	shalt  }
0x75: {  	_ =	shalt  }
0x76: {  	_ =	shalt  }
0x77: {  	_ =	shalt  }
0x78: {  	_ =	shalt  }
0x79: {  	_ =	shalt  }
0x7a: {  	_ =	shalt  }
0x7b: {  	_ =	shalt  }
0x7c: {  	_ =	shalt  }
0x7d: {  	_ =	shalt  }
0x7e: {  	_ =	shalt  }
0x7f: {  	_ =	shalt  }
0x80: {  	_ =	shalt  }
0x81: {  	_ =	shalt  }
0x82: {  	_ =	shalt  }
0x83: {  	_ =	shalt  }
0x84: {  	_ =	shalt  }
0x85: {  	_ =	shalt  }
0x86: {  	_ =	shalt  }
0x87: {  	_ =	shalt  }
.Lfunc_end0:
.L_simem_size_0:
called_computation.1_lowered:
.L_overlay_start_0:
0x88: {  	s2 =	sld [smem:$0x3FD9]  }
0x89: {  	s3 =	sld [smem:$0x3FFE];
	_ =	sdelay $0x1  }
0x8a: {  	s1 =	srdreg.scid  }
0x8b: {  	s0 =	sand.u32 $0x1, s1  }
0x8c: {  	s17 =	sshll.u32 s0, $0xA;
	s2 =	sadd.s32 s3, s2  }
0x8d: {  	s2 =	sadd.s32 s2, s17  }
0x8e: {  	[smem:$0x3FC6] =	sst s2  }
0x8f: {  	_ = 	snop  }
0x90: {  	s2 =	sld [smem:$0x3FD0];
	(tm) =	ssettm $0x1  }
0x91: {  	s18 =	sld [smem:$0x3FFB];
	_ =	sdelay $0x3  }
0x92: {  	_ =	strace s18  }
0x93: {  	s3 =	sld [smem:$0x3FFC];
	_ =	sdelay $0x3  }
0x94: {  	_ =	strace s3  }
0x95: {  	s3 =	sld [smem:$0x3FFD];
	_ =	sdelay $0x3  }
0x96: {  	_ =	strace s3  }
0x97: {  	_ =	strace $0x8FFFFFFF  }
0x98: {  	s19 =	sld [smem:$0x3FDB];
	_ =	sdelay $0x1  }
0x99: {  	s4 =	simm.s32 $_scs_section_size  }
0x9a: {  	s5 =	simm.s32 $_size__tile_overlayer_lowered;
	s6 =	simm.s32 $_tile_overlayer_lowered  }
0x9b: {  	s22 =	simm.s32 $0x1BFF;
	s21 =	sshll.u32 s6, $0x1;
	s3 =	sadd.s32 s4, s19  }
0x9c: {  	s7 =	simm.s32 $0x0;
	s20 =	sshll.u32 s5, $0x1;
	s5 =	sadd.s32 s21, s3  }
0x9d: {  	[timem:s7], [sflag:s22] =	dma.local [hbm:s5], s20  }
0x9e: {  	_ =	swait.ge [sflag:s22], s20  }
0x9f: {  	s4 =	ssub.s32 $0x0, s20;
	[sflag:s22] =	ssyncset.done $0x0  }
0xa0: {  	[sflag:s22] =	ssyncadd.s32 s4;
	_ =	sdelay $0x1  }
0xa1: {  	s23 =	simm.s32 $0x1B8B  }
0xa2: {  	_ =	swait.ge [sflag:s23], $0x1  }
0xa3: {  	[sflag:s23] =	ssyncset.done $0x0  }
0xa4: {  	s25 =	simm.s32 $0x1B8E;
	s24 =	sld [smem:$0x3FFE];
	[sflag:s23] =	ssyncadd.s32 $0xFFFFFFFF  }
0xa5: {  	s26 =	simm.s32 $execute0_lowered;
	[smem:$0x3FD2] =	sst s25  }
0xa6: {  	s5 =	sshll.u32 s26, $0x1;
	_ =	strace $0x80000046;
	[dreg:$0x1] =	wrdreg $0xFFFFFFFF  }
0xa7: {  	s28 =	simm.s32 $_size_execute0_lowered;
	s3 =	sadd.s32 s3, s5;
	[dreg:$0x0] =	wrdreg $0x0  }
0xa8: {  	s5 =	sshll.u32 s28, $0x1;
	[dreg:$0x2] =	wrdreg s3  }
0xa9: {  	[dreg:$0x3] =	wrdreg s5  }
0xaa: {  	[dreg:$0x4] =	wrdreg $0xC0  }
0xab: {  	_ =	task [dreg:s7], $0x5FFFF  }
0xac: {  	[dreg:$0x1] =	wrdreg $0xFFFFFFFF  }
0xad: {  	[dreg:$0x0] =	wrdreg $0x60  }
0xae: {  	[dreg:$0x2] =	wrdreg s24  }
0xaf: {  	[dreg:$0x3] =	wrdreg s2  }
0xb0: {  	[dreg:$0x4] =	wrdreg $0x9  }
0xb1: {  	_ =	task.clear_ibuf [dreg:s7], $0x5FFFF;
	_ =	strace $0x90000046  }
0xb2: {  	s29 =	simm.s32 $0x9;
	_ =	strace $0x80000048  }
0xb3: {  	_ =	swait.ge [sflag:s29], $0x1  }
0xb4: {  	[sflag:s29] =	ssyncadd.s32 $0xFFFFFFFF  }
0xb5: {  	_ =	strace $0x90000048  }
0xb6: {  	_ =	sfence  }
0xb7: {  	s30 =	sld [smem:$0x0];
	_ =	sdelay $0x2  }
0xb8: {  	s31 =	sshll.u32 s1, $0xD;
	s1 =	sshrl.u32 s1, $0x2  }
0xb9: {  	s3 =	sand.u32 $0x4000, s31;
	s1 =	sadd.s32 s1, s30  }
0xba: {  	s0 =	sor.u32 s3, s0;
	s1 =	sshll.u32 s1, $0x11  }
0xbb: {  	s0 =	sor.u32 s1, s0  }
0xbc: {  	s0 =	sadd.s32 $0x8F2B, s0  }
0xbd: {  	[sflag:s0] =	ssyncadd.remote.s32 $0x1  }
0xbe: {  	_ =	sfence.sel $0xFFFF  }
0xbf: {  	[dreg:$0x0] =	wrdreg $0xFFFFFFFF;
	(pc) =	sbr.abs _section_cstart, $3  }
0xc0: {  	[dreg:$0x1] =	wrdreg $0xFFFFFFFF  }
0xc1: {  	_ =	task.clear_ibuf [dreg:s7], $0x2FFFF;
	_ =	strace $0x9FFFFFFF  }
0xc2: {  	(tm) =	ssettm $0x7FFFFFFF  }
0xc3: {  	_ =	shalt  }
tec
execute0_lowered:
.L_overlay_start_1:
0x0: {  	(tag) =	ssettag $0x1  }
0x1: {  	s0 =	srdreg.scid;
	s5 =	rddreg [dreg:$0x0]  }
0x2: {  	s1 =	stileid.u32;
	s2 =	rddreg [dreg:$0x1];
	s4 =	simm.s32 $0x0  }
0x3: {  	s9 =	simm.s32 $0x40;
	s22 =	simm.s32 $0x1;
	s23 =	simm.s32 $0x16400  }
0x4: {  	s24 =	simm.s32 $0x2;
	s25 =	simm.s32 $0x17080;
	s26 =	simm.s32 $0x3  }
0x5: {  	s28 =	simm.s32 $0x17D00;
	s29 =	simm.s32 $0x4;
	s30 =	simm.s32 $0x18980  }
0x6: {  	s31 =	simm.s32 $0x5;
	s10 =	simm.s32 $0x1A280;
	s11 =	simm.s32 $0x7  }
0x7: {  	s12 =	simm.s32 $0x1AF00;
	s0 =	sand.u32 $0x1, s0;
	s1 =	sshll.u32 s1, $0x1  }
0x8: {  	s13 =	simm.s32 $0x8;
	s14 =	simm.s32 $0x1BB80;
	s1 =	sor.u32 s0, s1  }
0x9: {  	s7 =	simm.s32 $0x0;
	s0 =	ssub.s32 $0x2, s0;
	s3 =	smul.u32 $0x6400, s1  }
.Ltmp0:
0xa: {  	[smem:$0x7FF] =	sst s4;
	s6 =	sshrl.u32 s0, $0x1;
	(pc) =	sbr.rel .LBB2_1-.Ltmp0, $4  }
0xb: {  	_ =	strace $0x80000047;
	s0 =	ssub.s32 s0, s6;
	s1 =	sshrl.u32 s3, $0x3  }
0xc: {  	s6 =	simm.s32 $0x10;
	s0 =	smax.u32 s0, $0x1;
	s1 =	sadd.s32 s1, s5  }
0xd: {  	s5 =	sadd.s32 $0x634000, s5;
	[dreg:$0x4] =	wrdreg s0;
	s1 =	sadd.s32 $0x800, s1  }
0xe: {  	v0 =	vlaneseq.u32;
	s0 =	simm.s32 $0x6;
	[dreg:$0x3] =	wrdreg s1;
	s1 =	simm.s32 $0x19600  }
.LBB2_35:
0xf: {  	s8 =	simm.s32 $0x9  }
0x10: {  	_ =	swait.ge [sflag:s8], $0xC80  }
0x11: {  	[sflag:s8] =	ssyncset.done $0x0  }
0x12: {  	s15 =	simm.s32 $0xA;
	[sflag:s8] =	ssyncadd.s32 $0xFFFFF380  }
0x13: {  	_ =	swait.ge [sflag:s15], $0xC80  }
0x14: {  	[sflag:s15] =	ssyncset.done $0x0  }
0x15: {  	s16 =	simm.s32 $0xB;
	[sflag:s15] =	ssyncadd.s32 $0xFFFFF380  }
0x16: {  	_ =	swait.ge [sflag:s16], $0xC80  }
0x17: {  	[sflag:s16] =	ssyncset.done $0x0  }
0x18: {  	s17 =	simm.s32 $0xC;
	[sflag:s16] =	ssyncadd.s32 $0xFFFFF380  }
0x19: {  	_ =	swait.ge [sflag:s17], $0xC80  }
0x1a: {  	[sflag:s17] =	ssyncset.done $0x0  }
0x1b: {  	s18 =	simm.s32 $0xD;
	[sflag:s17] =	ssyncadd.s32 $0xFFFFF380  }
0x1c: {  	_ =	swait.ge [sflag:s18], $0xC80  }
0x1d: {  	[sflag:s18] =	ssyncset.done $0x0  }
0x1e: {  	s19 =	simm.s32 $0xE;
	[sflag:s18] =	ssyncadd.s32 $0xFFFFF380  }
0x1f: {  	_ =	swait.ge [sflag:s19], $0xC80  }
0x20: {  	[sflag:s19] =	ssyncset.done $0x0  }
0x21: {  	s20 =	simm.s32 $0xF;
	[sflag:s19] =	ssyncadd.s32 $0xFFFFF380  }
0x22: {  	_ =	swait.ge [sflag:s20], $0xC80  }
0x23: {  	[sflag:s20] =	ssyncset.done $0x0  }
0x24: {  	[sflag:s20] =	ssyncadd.s32 $0xFFFFF380  }
0x25: {  	_ =	swait.ge [sflag:s6], $0xC80  }
0x26: {  	s7 =	sadd.s32 $0x1, s7;
	s21 =	rddreg [dreg:$0x4]  }
0x27: {  	p0 =	sne.s32 s7, s21  }
.Ltmp1:
0x28: {  	_ = 	snop;
	(pc) =	sbr.rel @!p0 .LBB2_36-.Ltmp1, $3  }
0x29: {  	_ =	sdelay $0x1  }
0x2a: {  	[sflag:s6] =	ssyncset.done $0x0  }
0x2b: {  	[sflag:s6] =	ssyncadd.s32 $0xFFFFF380  }
.LBB2_1:
0x2c: {  	s8 =	rddreg [dreg:$0x3];
	s16 =	simm.s32 $0x11  }
0x2d: {  	[tilespmem:s4], [sflag:$0x11] =	stream.linear.gather [hbm4b:s8+s4], $0x6400, $0x38;
	[tilespmem:$0x1C800] =	vst v63  }
0x2e: {  	_ =	swait.ge [sflag:s16], $0x6400  }
0x2f: {  	[sflag:s16] =	ssyncset.done $0x0  }
0x30: {  	s17 =	simm.s32 $0x6400;
	[sflag:s16] =	ssyncadd.s32 $0xFFFF9C00  }
0x31: {  	[tilespmem:s17], [sflag:$0x1] =	stream.indirect.gather [hbm4b:s5+s9], $0x80, s4, s9, $0xb8;
	[tilespmem:$0x1C800] =	vst v63  }
0x32: {  	s18 =	simm.s32 $0x8400  }
0x33: {  	[tilespmem:s18], [sflag:$0x2] =	stream.indirect.gather [hbm4b:s5+s9], $0x80, s9, s9, $0xb8;
	[tilespmem:$0x1C800] =	vst v63  }
0x34: {  	s19 =	simm.s32 $0x80;
	s15 =	simm.s32 $0xA400  }
0x35: {  	[tilespmem:s15], [sflag:$0x3] =	stream.indirect.gather [hbm4b:s5+s9], $0x80, s19, s9, $0xb8;
	[tilespmem:$0x1C800] =	vst v63  }
0x36: {  	s20 =	simm.s32 $0xC0;
	s21 =	simm.s32 $0xC400  }
0x37: {  	[tilespmem:s21], [sflag:$0x4] =	stream.indirect.gather [hbm4b:s5+s9], $0x80, s20, s9, $0xb8;
	[tilespmem:$0x1C800] =	vst v63  }
0x38: {  	s16 =	simm.s32 $0x100;
	s17 =	simm.s32 $0xE400  }
0x39: {  	[tilespmem:s17], [sflag:$0x5] =	stream.indirect.gather [hbm4b:s5+s9], $0x80, s16, s9, $0xb8;
	[tilespmem:$0x1C800] =	vst v63  }
.Ltmp2:
0x3a: {  	_ = 	snop;
	(pc) =	sbr.rel .LBB2_2-.Ltmp2, $4  }
0x3b: {  	s18 =	simm.s32 $0x140;
	s19 =	simm.s32 $0x10400  }
0x3c: {  	[tilespmem:s19], [sflag:$0x6] =	stream.indirect.gather [hbm4b:s5+s9], $0x80, s18, s9, $0xb8;
	[tilespmem:$0x1C800] =	vst v63  }
0x3d: {  	s8 =	simm.s32 $0x0;
	s20 =	simm.s32 $0x180;
	s21 =	simm.s32 $0x12400  }
0x3e: {  	[tilespmem:s21], [sflag:$0x7] =	stream.indirect.gather [hbm4b:s5+s9], $0x80, s20, s9, $0xb8;
	[tilespmem:$0x1C800] =	vst v63  }
.LBB2_34:
0x3f: {  	p1 =	sne.s32 @!p0 s17, $0x7  }
0x40: {  	p2 =	por p1, p0  }
0x41: {  	p3 =	seq.s32 @!p2 s8, $0x0  }
0x42: {  	p1 =	por @!p0 p3, p1  }
0x43: {  	p0 =	por p1, p0  }
0x44: {  	s16 =	simm.s32 @!p0 $0x10  }
0x45: {  	_ =	swait.ge @!p0 [sflag:s16], $0xC80  }
0x46: {  	s8 =	sadd.s32 $0x1, s8;
	[sflag:s16] =	ssyncset.done @!p0 $0x0  }
0x47: {  	[sflag:s16] =	ssyncadd.s32 @!p0 $0xFFFFF380;
	p0 =	sne.s32 s8, $0x190  }
.Ltmp3:
0x48: {  	_ = 	snop;
	(pc) =	sbr.rel @!p0 .LBB2_35-.Ltmp3, $4  }
0x49: {  	_ = 	snop  }
0x4a: {  	s15 =	sshll.u32 @!p2 s15, $0x6  }
0x4b: {  	s17 =	simm.s32 @!p2 $0x14400;
	s15 =	sand.u32 @!p2 $0x3FFFFFC0, s15;
	s16 =	simm.s32 @!p2 $0x40  }
0x4c: {  	[tilespmem:s17], [sflag:$0x8] =	stream.indirect.gather @!p2 [hbm4b:s5+s16], $0x80, s15, s16, $0xb8;
	[tilespmem:$0x1C800] =	vst v63  }
.LBB2_2:
0x4d: {  	s16 =	sand.u32 $0x7, s8  }
0x4e: {  	p0 =	sne.s32 s16, $0x0  }
.Ltmp4:
0x4f: {  	_ = 	snop;
	(pc) =	sbr.rel @p0 .LBB2_6-.Ltmp4, $1  }
0x50: {  	_ =	sdelay $0x3  }
0x51: {  	_ =	swait.ge [sflag:s22], $0x2000  }
0x52: {  	s15 =	simm.s32 $0x30;
	s17 =	simm.s32 $0x6420;
	[sflag:s22] =	ssyncset.done $0x0  }
0x53: {  	s19 =	simm.s32 $0x0;
	s18 =	simm.s32 $0x62;
	[sflag:s22] =	ssyncadd.s32 $0xFFFFE000  }
.LBB2_4:
0x54: {  	p0 =	sne.s32 s18, $0xC7E;
	v1 =	vld [tilespmem:s17+$0xFFFFFFE0];
	v2 =	vadd.s32 s19, v0;
	_ =	sdelay $0x4  }
0x55: {  	s19 =	sadd.s32 $0xFFFFFFE0, s15;
	[tilespmem:v2+s23+$0x0] =	vst.idx.msk $0xffff, v1  }
0x56: {  	v2 =	vadd.s32 s19, v0;
	v1 =	vld [tilespmem:s17+$0xFFFFFFF0];
	_ =	sdelay $0x4  }
0x57: {  	s19 =	sadd.s32 $0xFFFFFFF0, s15;
	[tilespmem:v2+s23+$0x0] =	vst.idx.msk $0xffff, v1  }
0x58: {  	v2 =	vadd.s32 s19, v0;
	v1 =	vld [tilespmem:s17+$0x0];
	_ =	sdelay $0x4  }
0x59: {  	[tilespmem:v2+s23+$0x0] =	vst.idx.msk $0xffff, v1  }
0x5a: {  	v2 =	vadd.s32 s15, v0;
	s15 =	smov.u32 s18;
	v1 =	vld [tilespmem:s17+$0x10]  }
.Ltmp5:
0x5b: {  	(pc) =	sbr.rel @p0 .LBB2_4-.Ltmp5, $2  }
0x5c: {  	_ =	sdelay $0x2  }
0x5d: {  	s18 =	sadd.s32 $0x32, s18;
	s19 =	sadd.s32 $0xFFFFFFD0, s15;
	s17 =	sadd.s32 $0x80, s17;
	[tilespmem:v2+s23+$0x0] =	vst.idx.msk $0x3, v1  }
0x5e: {  	v1 =	vld [tilespmem:s17+$0xFFFFFFE0];
	v2 =	vadd.s32 s19, v0;
	_ =	sdelay $0x4  }
0x5f: {  	s18 =	sadd.s32 $0xFFFFFFE0, s15;
	[tilespmem:v2+s23+$0x0] =	vst.idx.msk $0xffff, v1  }
0x60: {  	v2 =	vadd.s32 s18, v0;
	v1 =	vld [tilespmem:s17+$0xFFFFFFF0];
	_ =	sdelay $0x4  }
0x61: {  	s20 =	sadd.s32 $0xFFFFFFF0, s15;
	[tilespmem:v2+s23+$0x0] =	vst.idx.msk $0xffff, v1  }
0x62: {  	v2 =	vadd.s32 s20, v0;
	v1 =	vld [tilespmem:s17+$0x0];
	_ =	sdelay $0x4  }
0x63: {  	[tilespmem:v2+s23+$0x0] =	vst.idx.msk $0xffff, v1  }
0x64: {  	s21 =	sshll.u32 s8, $0x6;
	v2 =	vadd.s32 s15, v0;
	v1 =	vld [tilespmem:s17+$0x10]  }
0x65: {  	s15 =	sadd.s32 s3, s21  }
0x66: {  	s15 =	smul.u32 $0x32, s15;
	_ =	sdelay $0x1  }
0x67: {  	s15 =	sshrl.u32 s15, $0x3  }
0x68: {  	s15 =	sadd.s32 s2, s15;
	[tilespmem:v2+s23+$0x0] =	vst.idx.msk $0x3, v1  }
0x69: {  	[hbm4b:s15+s4] =	stream.linear.scatter [tilespmem:s23], [sflag:$0x9], $0xC80, $0x38;
	[tilespmem:$0x1C800] =	vst v63  }
.LBB2_6:
0x6a: {  	s15 =	sadd.s32 $0x7, s8  }
0x6b: {  	p0 =	sgt.u32 s8, $0x188;
	s17 =	sand.u32 $0x7, s15  }
0x6c: {  	p1 =	sne.s32 @!p0 s17, $0x0  }
0x6d: {  	p2 =	por p1, p0  }
0x6e: {  	p3 =	seq.s32 @!p2 s8, $0x0  }
0x6f: {  	p1 =	por @!p0 p3, p1  }
0x70: {  	p1 =	por p1, p0  }
0x71: {  	s18 =	simm.s32 @!p1 $0x9  }
0x72: {  	_ =	swait.ge @!p1 [sflag:s18], $0xC80  }
0x73: {  	[sflag:s18] =	ssyncset.done @!p1 $0x0  }
0x74: {  	[sflag:s18] =	ssyncadd.s32 @!p1 $0xFFFFF380;
	p1 =	sne.s32 s16, $0x1  }
.Ltmp6:
0x75: {  	_ = 	snop;
	(pc) =	sbr.rel @p1 .LBB2_10-.Ltmp6, $4  }
0x76: {  	_ = 	snop  }
0x77: {  	s18 =	sshll.u32 @!p2 s15, $0x6  }
0x78: {  	s19 =	simm.s32 @!p2 $0x40;
	s20 =	simm.s32 @!p2 $0x6400;
	s18 =	sand.u32 @!p2 $0x3FFFFFC0, s18  }
0x79: {  	[tilespmem:s20], [sflag:$0x1] =	stream.indirect.gather @!p2 [hbm4b:s5+s19], $0x80, s18, s19, $0xb8;
	[tilespmem:$0x1C800] =	vst v63  }
0x7a: {  	_ =	swait.ge [sflag:s24], $0x2000  }
0x7b: {  	s18 =	simm.s32 $0x30;
	s19 =	simm.s32 $0x8430;
	[sflag:s24] =	ssyncset.done $0x0  }
0x7c: {  	s21 =	simm.s32 $0x0;
	s20 =	simm.s32 $0x62;
	[sflag:s24] =	ssyncadd.s32 $0xFFFFE000  }
.LBB2_8:
0x7d: {  	p1 =	sne.s32 s20, $0xC7E;
	v1 =	vld [tilespmem:s19+$0xFFFFFFD0];
	v2 =	vadd.s32 s21, v0;
	_ =	sdelay $0x4  }
0x7e: {  	s21 =	sadd.s32 $0xFFFFFFE0, s18;
	[tilespmem:v2+s25+$0x0] =	vst.idx.msk $0xffff, v1  }
0x7f: {  	v2 =	vadd.s32 s21, v0;
	v1 =	vld [tilespmem:s19+$0xFFFFFFE0];
	_ =	sdelay $0x4  }
0x80: {  	s21 =	sadd.s32 $0xFFFFFFF0, s18;
	[tilespmem:v2+s25+$0x0] =	vst.idx.msk $0xffff, v1  }
0x81: {  	v2 =	vadd.s32 s21, v0;
	v1 =	vld [tilespmem:s19+$0xFFFFFFF0];
	_ =	sdelay $0x4  }
0x82: {  	[tilespmem:v2+s25+$0x0] =	vst.idx.msk $0xffff, v1  }
0x83: {  	v2 =	vadd.s32 s18, v0;
	s18 =	smov.u32 s20;
	v1 =	vld [tilespmem:s19+$0x0]  }
.Ltmp7:
0x84: {  	(pc) =	sbr.rel @p1 .LBB2_8-.Ltmp7, $2  }
0x85: {  	_ =	sdelay $0x2  }
0x86: {  	s20 =	sadd.s32 $0x32, s20;
	s21 =	sadd.s32 $0xFFFFFFD0, s18;
	s19 =	sadd.s32 $0x80, s19;
	[tilespmem:v2+s25+$0x0] =	vst.idx.msk $0x3, v1  }
0x87: {  	v1 =	vld [tilespmem:s19+$0xFFFFFFD0];
	v2 =	vadd.s32 s21, v0;
	_ =	sdelay $0x4  }
0x88: {  	s20 =	sadd.s32 $0xFFFFFFE0, s18;
	[tilespmem:v2+s25+$0x0] =	vst.idx.msk $0xffff, v1  }
0x89: {  	v2 =	vadd.s32 s20, v0;
	v1 =	vld [tilespmem:s19+$0xFFFFFFE0];
	_ =	sdelay $0x4  }
0x8a: {  	s21 =	sadd.s32 $0xFFFFFFF0, s18;
	[tilespmem:v2+s25+$0x0] =	vst.idx.msk $0xffff, v1  }
0x8b: {  	v2 =	vadd.s32 s21, v0;
	v1 =	vld [tilespmem:s19+$0xFFFFFFF0];
	_ =	sdelay $0x4  }
0x8c: {  	[tilespmem:v2+s25+$0x0] =	vst.idx.msk $0xffff, v1  }
0x8d: {  	s21 =	sshll.u32 s8, $0x6;
	v2 =	vadd.s32 s18, v0;
	v1 =	vld [tilespmem:s19+$0x0]  }
0x8e: {  	s18 =	sadd.s32 s3, s21  }
0x8f: {  	s18 =	smul.u32 $0x32, s18;
	_ =	sdelay $0x1  }
0x90: {  	s18 =	sshrl.u32 s18, $0x3  }
0x91: {  	s18 =	sadd.s32 s2, s18;
	[tilespmem:v2+s25+$0x0] =	vst.idx.msk $0x3, v1  }
0x92: {  	[hbm4b:s18+s4] =	stream.linear.scatter [tilespmem:s25], [sflag:$0xA], $0xC80, $0x38;
	[tilespmem:$0x1C800] =	vst v63  }
.LBB2_10:
0x93: {  	p1 =	sne.s32 @!p0 s17, $0x1  }
0x94: {  	p2 =	por p1, p0  }
0x95: {  	p3 =	seq.s32 @!p2 s8, $0x0  }
0x96: {  	p1 =	por @!p0 p3, p1  }
0x97: {  	p1 =	por p1, p0  }
0x98: {  	s18 =	simm.s32 @!p1 $0xA  }
0x99: {  	_ =	swait.ge @!p1 [sflag:s18], $0xC80  }
0x9a: {  	[sflag:s18] =	ssyncset.done @!p1 $0x0  }
0x9b: {  	[sflag:s18] =	ssyncadd.s32 @!p1 $0xFFFFF380;
	p1 =	sne.s32 s16, $0x2  }
.Ltmp8:
0x9c: {  	_ = 	snop;
	(pc) =	sbr.rel @p1 .LBB2_14-.Ltmp8, $4  }
0x9d: {  	_ = 	snop  }
0x9e: {  	s18 =	sshll.u32 @!p2 s15, $0x6  }
0x9f: {  	s19 =	simm.s32 @!p2 $0x40;
	s20 =	simm.s32 @!p2 $0x8400;
	s18 =	sand.u32 @!p2 $0x3FFFFFC0, s18  }
0xa0: {  	[tilespmem:s20], [sflag:$0x2] =	stream.indirect.gather @!p2 [hbm4b:s5+s19], $0x80, s18, s19, $0xb8;
	[tilespmem:$0x1C800] =	vst v63  }
0xa1: {  	_ =	swait.ge [sflag:s26], $0x2000  }
0xa2: {  	s18 =	simm.s32 $0x30;
	s19 =	simm.s32 $0xA400;
	[sflag:s26] =	ssyncset.done $0x0  }
0xa3: {  	s21 =	simm.s32 $0x0;
	s20 =	simm.s32 $0x62;
	[sflag:s26] =	ssyncadd.s32 $0xFFFFE000  }
.LBB2_12:
0xa4: {  	p1 =	sne.s32 s20, $0xC7E;
	v1 =	vld [tilespmem:s19+$0x0];
	v2 =	vadd.s32 s21, v0;
	_ =	sdelay $0x4  }
0xa5: {  	s21 =	sadd.s32 $0xFFFFFFE0, s18;
	[tilespmem:v2+s28+$0x0] =	vst.idx.msk $0xffff, v1  }
0xa6: {  	v2 =	vadd.s32 s21, v0;
	v1 =	vld [tilespmem:s19+$0x10];
	_ =	sdelay $0x4  }
0xa7: {  	s21 =	sadd.s32 $0xFFFFFFF0, s18;
	[tilespmem:v2+s28+$0x0] =	vst.idx.msk $0xffff, v1  }
0xa8: {  	v2 =	vadd.s32 s21, v0;
	v1 =	vld [tilespmem:s19+$0x20];
	_ =	sdelay $0x4  }
0xa9: {  	[tilespmem:v2+s28+$0x0] =	vst.idx.msk $0xffff, v1  }
0xaa: {  	v2 =	vadd.s32 s18, v0;
	s18 =	smov.u32 s20;
	v1 =	vld [tilespmem:s19+$0x30]  }
.Ltmp9:
0xab: {  	(pc) =	sbr.rel @p1 .LBB2_12-.Ltmp9, $2  }
0xac: {  	_ =	sdelay $0x2  }
0xad: {  	s20 =	sadd.s32 $0x32, s20;
	s21 =	sadd.s32 $0xFFFFFFD0, s18;
	s19 =	sadd.s32 $0x80, s19;
	[tilespmem:v2+s28+$0x0] =	vst.idx.msk $0x3, v1  }
0xae: {  	v1 =	vld [tilespmem:s19+$0x0];
	v2 =	vadd.s32 s21, v0;
	_ =	sdelay $0x4  }
0xaf: {  	s20 =	sadd.s32 $0xFFFFFFE0, s18;
	[tilespmem:v2+s28+$0x0] =	vst.idx.msk $0xffff, v1  }
0xb0: {  	v2 =	vadd.s32 s20, v0;
	v1 =	vld [tilespmem:s19+$0x10];
	_ =	sdelay $0x4  }
0xb1: {  	s21 =	sadd.s32 $0xFFFFFFF0, s18;
	[tilespmem:v2+s28+$0x0] =	vst.idx.msk $0xffff, v1  }
0xb2: {  	v2 =	vadd.s32 s21, v0;
	v1 =	vld [tilespmem:s19+$0x20];
	_ =	sdelay $0x4  }
0xb3: {  	[tilespmem:v2+s28+$0x0] =	vst.idx.msk $0xffff, v1  }
0xb4: {  	s21 =	sshll.u32 s8, $0x6;
	v2 =	vadd.s32 s18, v0;
	v1 =	vld [tilespmem:s19+$0x30]  }
0xb5: {  	s18 =	sadd.s32 s3, s21  }
0xb6: {  	s18 =	smul.u32 $0x32, s18;
	_ =	sdelay $0x1  }
0xb7: {  	s18 =	sshrl.u32 s18, $0x3  }
0xb8: {  	s18 =	sadd.s32 s2, s18;
	[tilespmem:v2+s28+$0x0] =	vst.idx.msk $0x3, v1  }
0xb9: {  	[hbm4b:s18+s4] =	stream.linear.scatter [tilespmem:s28], [sflag:$0xB], $0xC80, $0x38;
	[tilespmem:$0x1C800] =	vst v63  }
.LBB2_14:
0xba: {  	p1 =	sne.s32 @!p0 s17, $0x2  }
0xbb: {  	p2 =	por p1, p0  }
0xbc: {  	p3 =	seq.s32 @!p2 s8, $0x0  }
0xbd: {  	p1 =	por @!p0 p3, p1  }
0xbe: {  	p1 =	por p1, p0  }
0xbf: {  	s18 =	simm.s32 @!p1 $0xB  }
0xc0: {  	_ =	swait.ge @!p1 [sflag:s18], $0xC80  }
0xc1: {  	[sflag:s18] =	ssyncset.done @!p1 $0x0  }
0xc2: {  	[sflag:s18] =	ssyncadd.s32 @!p1 $0xFFFFF380;
	p1 =	sne.s32 s16, $0x3  }
.Ltmp10:
0xc3: {  	_ = 	snop;
	(pc) =	sbr.rel @p1 .LBB2_18-.Ltmp10, $4  }
0xc4: {  	_ = 	snop  }
0xc5: {  	s18 =	sshll.u32 @!p2 s15, $0x6  }
0xc6: {  	s19 =	simm.s32 @!p2 $0x40;
	s20 =	simm.s32 @!p2 $0xA400;
	s18 =	sand.u32 @!p2 $0x3FFFFFC0, s18  }
0xc7: {  	[tilespmem:s20], [sflag:$0x3] =	stream.indirect.gather @!p2 [hbm4b:s5+s19], $0x80, s18, s19, $0xb8;
	[tilespmem:$0x1C800] =	vst v63  }
0xc8: {  	_ =	swait.ge [sflag:s29], $0x2000  }
0xc9: {  	s18 =	simm.s32 $0x30;
	s19 =	simm.s32 $0xC400;
	[sflag:s29] =	ssyncset.done $0x0  }
0xca: {  	s21 =	simm.s32 $0x0;
	s20 =	simm.s32 $0x62;
	[sflag:s29] =	ssyncadd.s32 $0xFFFFE000  }
.LBB2_16:
0xcb: {  	p1 =	sne.s32 s20, $0xC7E;
	v1 =	vld [tilespmem:s19+$0x0];
	v2 =	vadd.s32 s21, v0;
	_ =	sdelay $0x4  }
0xcc: {  	s21 =	sadd.s32 $0xFFFFFFE0, s18;
	[tilespmem:v2+s30+$0x0] =	vst.idx.msk $0xffff, v1  }
0xcd: {  	v2 =	vadd.s32 s21, v0;
	v1 =	vld [tilespmem:s19+$0x10];
	_ =	sdelay $0x4  }
0xce: {  	s21 =	sadd.s32 $0xFFFFFFF0, s18;
	[tilespmem:v2+s30+$0x0] =	vst.idx.msk $0xffff, v1  }
0xcf: {  	v2 =	vadd.s32 s21, v0;
	v1 =	vld [tilespmem:s19+$0x20];
	_ =	sdelay $0x4  }
0xd0: {  	[tilespmem:v2+s30+$0x0] =	vst.idx.msk $0xffff, v1  }
0xd1: {  	v2 =	vadd.s32 s18, v0;
	s18 =	smov.u32 s20;
	v1 =	vld [tilespmem:s19+$0x30]  }
.Ltmp11:
0xd2: {  	(pc) =	sbr.rel @p1 .LBB2_16-.Ltmp11, $2  }
0xd3: {  	_ =	sdelay $0x2  }
0xd4: {  	s20 =	sadd.s32 $0x32, s20;
	s21 =	sadd.s32 $0xFFFFFFD0, s18;
	s19 =	sadd.s32 $0x80, s19;
	[tilespmem:v2+s30+$0x0] =	vst.idx.msk $0x3, v1  }
0xd5: {  	v1 =	vld [tilespmem:s19+$0x0];
	v2 =	vadd.s32 s21, v0;
	_ =	sdelay $0x4  }
0xd6: {  	s20 =	sadd.s32 $0xFFFFFFE0, s18;
	[tilespmem:v2+s30+$0x0] =	vst.idx.msk $0xffff, v1  }
0xd7: {  	v2 =	vadd.s32 s20, v0;
	v1 =	vld [tilespmem:s19+$0x10];
	_ =	sdelay $0x4  }
0xd8: {  	s21 =	sadd.s32 $0xFFFFFFF0, s18;
	[tilespmem:v2+s30+$0x0] =	vst.idx.msk $0xffff, v1  }
0xd9: {  	v2 =	vadd.s32 s21, v0;
	v1 =	vld [tilespmem:s19+$0x20];
	_ =	sdelay $0x4  }
0xda: {  	[tilespmem:v2+s30+$0x0] =	vst.idx.msk $0xffff, v1  }
0xdb: {  	s21 =	sshll.u32 s8, $0x6;
	v2 =	vadd.s32 s18, v0;
	v1 =	vld [tilespmem:s19+$0x30]  }
0xdc: {  	s18 =	sadd.s32 s3, s21  }
0xdd: {  	s18 =	smul.u32 $0x32, s18;
	_ =	sdelay $0x1  }
0xde: {  	s18 =	sshrl.u32 s18, $0x3  }
0xdf: {  	s18 =	sadd.s32 s2, s18;
	[tilespmem:v2+s30+$0x0] =	vst.idx.msk $0x3, v1  }
0xe0: {  	[hbm4b:s18+s4] =	stream.linear.scatter [tilespmem:s30], [sflag:$0xC], $0xC80, $0x38;
	[tilespmem:$0x1C800] =	vst v63  }
.LBB2_18:
0xe1: {  	p1 =	sne.s32 @!p0 s17, $0x3  }
0xe2: {  	p2 =	por p1, p0  }
0xe3: {  	p3 =	seq.s32 @!p2 s8, $0x0  }
0xe4: {  	p1 =	por @!p0 p3, p1  }
0xe5: {  	p1 =	por p1, p0  }
0xe6: {  	s18 =	simm.s32 @!p1 $0xC  }
0xe7: {  	_ =	swait.ge @!p1 [sflag:s18], $0xC80  }
0xe8: {  	[sflag:s18] =	ssyncset.done @!p1 $0x0  }
0xe9: {  	[sflag:s18] =	ssyncadd.s32 @!p1 $0xFFFFF380;
	p1 =	sne.s32 s16, $0x4  }
.Ltmp12:
0xea: {  	_ = 	snop;
	(pc) =	sbr.rel @p1 .LBB2_22-.Ltmp12, $4  }
0xeb: {  	_ = 	snop  }
0xec: {  	s18 =	sshll.u32 @!p2 s15, $0x6  }
0xed: {  	s19 =	simm.s32 @!p2 $0x40;
	s20 =	simm.s32 @!p2 $0xC400;
	s18 =	sand.u32 @!p2 $0x3FFFFFC0, s18  }
0xee: {  	[tilespmem:s20], [sflag:$0x4] =	stream.indirect.gather @!p2 [hbm4b:s5+s19], $0x80, s18, s19, $0xb8;
	[tilespmem:$0x1C800] =	vst v63  }
0xef: {  	_ =	swait.ge [sflag:s31], $0x2000  }
0xf0: {  	s18 =	simm.s32 $0x30;
	s19 =	simm.s32 $0xE400;
	[sflag:s31] =	ssyncset.done $0x0  }
0xf1: {  	s21 =	simm.s32 $0x0;
	s20 =	simm.s32 $0x62;
	[sflag:s31] =	ssyncadd.s32 $0xFFFFE000  }
.LBB2_20:
0xf2: {  	p1 =	sne.s32 s20, $0xC7E;
	v1 =	vld [tilespmem:s19+$0x0];
	v2 =	vadd.s32 s21, v0;
	_ =	sdelay $0x4  }
0xf3: {  	s21 =	sadd.s32 $0xFFFFFFE0, s18;
	[tilespmem:v2+s1+$0x0] =	vst.idx.msk $0xffff, v1  }
0xf4: {  	v2 =	vadd.s32 s21, v0;
	v1 =	vld [tilespmem:s19+$0x10];
	_ =	sdelay $0x4  }
0xf5: {  	s21 =	sadd.s32 $0xFFFFFFF0, s18;
	[tilespmem:v2+s1+$0x0] =	vst.idx.msk $0xffff, v1  }
0xf6: {  	v2 =	vadd.s32 s21, v0;
	v1 =	vld [tilespmem:s19+$0x20];
	_ =	sdelay $0x4  }
0xf7: {  	[tilespmem:v2+s1+$0x0] =	vst.idx.msk $0xffff, v1  }
0xf8: {  	v2 =	vadd.s32 s18, v0;
	s18 =	smov.u32 s20;
	v1 =	vld [tilespmem:s19+$0x30]  }
.Ltmp13:
0xf9: {  	(pc) =	sbr.rel @p1 .LBB2_20-.Ltmp13, $2  }
0xfa: {  	_ =	sdelay $0x2  }
0xfb: {  	s20 =	sadd.s32 $0x32, s20;
	s21 =	sadd.s32 $0xFFFFFFD0, s18;
	s19 =	sadd.s32 $0x80, s19;
	[tilespmem:v2+s1+$0x0] =	vst.idx.msk $0x3, v1  }
0xfc: {  	v1 =	vld [tilespmem:s19+$0x0];
	v2 =	vadd.s32 s21, v0;
	_ =	sdelay $0x4  }
0xfd: {  	s20 =	sadd.s32 $0xFFFFFFE0, s18;
	[tilespmem:v2+s1+$0x0] =	vst.idx.msk $0xffff, v1  }
0xfe: {  	v2 =	vadd.s32 s20, v0;
	v1 =	vld [tilespmem:s19+$0x10];
	_ =	sdelay $0x4  }
0xff: {  	s21 =	sadd.s32 $0xFFFFFFF0, s18;
	[tilespmem:v2+s1+$0x0] =	vst.idx.msk $0xffff, v1  }
0x100: {  	v2 =	vadd.s32 s21, v0;
	v1 =	vld [tilespmem:s19+$0x20];
	_ =	sdelay $0x4  }
0x101: {  	[tilespmem:v2+s1+$0x0] =	vst.idx.msk $0xffff, v1  }
0x102: {  	s21 =	sshll.u32 s8, $0x6;
	v2 =	vadd.s32 s18, v0;
	v1 =	vld [tilespmem:s19+$0x30]  }
0x103: {  	s18 =	sadd.s32 s3, s21  }
0x104: {  	s18 =	smul.u32 $0x32, s18;
	_ =	sdelay $0x1  }
0x105: {  	s18 =	sshrl.u32 s18, $0x3  }
0x106: {  	s18 =	sadd.s32 s2, s18;
	[tilespmem:v2+s1+$0x0] =	vst.idx.msk $0x3, v1  }
0x107: {  	[hbm4b:s18+s4] =	stream.linear.scatter [tilespmem:s1], [sflag:$0xD], $0xC80, $0x38;
	[tilespmem:$0x1C800] =	vst v63  }
.LBB2_22:
0x108: {  	p1 =	sne.s32 @!p0 s17, $0x4  }
0x109: {  	p2 =	por p1, p0  }
0x10a: {  	p3 =	seq.s32 @!p2 s8, $0x0  }
0x10b: {  	p1 =	por @!p0 p3, p1  }
0x10c: {  	p1 =	por p1, p0  }
0x10d: {  	s18 =	simm.s32 @!p1 $0xD  }
0x10e: {  	_ =	swait.ge @!p1 [sflag:s18], $0xC80  }
0x10f: {  	[sflag:s18] =	ssyncset.done @!p1 $0x0  }
0x110: {  	[sflag:s18] =	ssyncadd.s32 @!p1 $0xFFFFF380;
	p1 =	sne.s32 s16, $0x5  }
.Ltmp14:
0x111: {  	_ = 	snop;
	(pc) =	sbr.rel @p1 .LBB2_26-.Ltmp14, $4  }
0x112: {  	_ = 	snop  }
0x113: {  	s18 =	sshll.u32 @!p2 s15, $0x6  }
0x114: {  	s19 =	simm.s32 @!p2 $0x40;
	s20 =	simm.s32 @!p2 $0xE400;
	s18 =	sand.u32 @!p2 $0x3FFFFFC0, s18  }
0x115: {  	[tilespmem:s20], [sflag:$0x5] =	stream.indirect.gather @!p2 [hbm4b:s5+s19], $0x80, s18, s19, $0xb8;
	[tilespmem:$0x1C800] =	vst v63  }
0x116: {  	_ =	swait.ge [sflag:s0], $0x2000  }
0x117: {  	s18 =	simm.s32 $0x30;
	s19 =	simm.s32 $0x10400;
	[sflag:s0] =	ssyncset.done $0x0  }
0x118: {  	s21 =	simm.s32 $0x0;
	s20 =	simm.s32 $0x62;
	[sflag:s0] =	ssyncadd.s32 $0xFFFFE000  }
.LBB2_24:
0x119: {  	p1 =	sne.s32 s20, $0xC7E;
	v1 =	vld [tilespmem:s19+$0x0];
	v2 =	vadd.s32 s21, v0;
	_ =	sdelay $0x4  }
0x11a: {  	s21 =	sadd.s32 $0xFFFFFFE0, s18;
	[tilespmem:v2+s10+$0x0] =	vst.idx.msk $0xffff, v1  }
0x11b: {  	v2 =	vadd.s32 s21, v0;
	v1 =	vld [tilespmem:s19+$0x10];
	_ =	sdelay $0x4  }
0x11c: {  	s21 =	sadd.s32 $0xFFFFFFF0, s18;
	[tilespmem:v2+s10+$0x0] =	vst.idx.msk $0xffff, v1  }
0x11d: {  	v2 =	vadd.s32 s21, v0;
	v1 =	vld [tilespmem:s19+$0x20];
	_ =	sdelay $0x4  }
0x11e: {  	[tilespmem:v2+s10+$0x0] =	vst.idx.msk $0xffff, v1  }
0x11f: {  	v2 =	vadd.s32 s18, v0;
	s18 =	smov.u32 s20;
	v1 =	vld [tilespmem:s19+$0x30]  }
.Ltmp15:
0x120: {  	(pc) =	sbr.rel @p1 .LBB2_24-.Ltmp15, $2  }
0x121: {  	_ =	sdelay $0x2  }
0x122: {  	s20 =	sadd.s32 $0x32, s20;
	s21 =	sadd.s32 $0xFFFFFFD0, s18;
	s19 =	sadd.s32 $0x80, s19;
	[tilespmem:v2+s10+$0x0] =	vst.idx.msk $0x3, v1  }
0x123: {  	v1 =	vld [tilespmem:s19+$0x0];
	v2 =	vadd.s32 s21, v0;
	_ =	sdelay $0x4  }
0x124: {  	s20 =	sadd.s32 $0xFFFFFFE0, s18;
	[tilespmem:v2+s10+$0x0] =	vst.idx.msk $0xffff, v1  }
0x125: {  	v2 =	vadd.s32 s20, v0;
	v1 =	vld [tilespmem:s19+$0x10];
	_ =	sdelay $0x4  }
0x126: {  	s21 =	sadd.s32 $0xFFFFFFF0, s18;
	[tilespmem:v2+s10+$0x0] =	vst.idx.msk $0xffff, v1  }
0x127: {  	v2 =	vadd.s32 s21, v0;
	v1 =	vld [tilespmem:s19+$0x20];
	_ =	sdelay $0x4  }
0x128: {  	[tilespmem:v2+s10+$0x0] =	vst.idx.msk $0xffff, v1  }
0x129: {  	s21 =	sshll.u32 s8, $0x6;
	v2 =	vadd.s32 s18, v0;
	v1 =	vld [tilespmem:s19+$0x30]  }
0x12a: {  	s18 =	sadd.s32 s3, s21  }
0x12b: {  	s18 =	smul.u32 $0x32, s18;
	_ =	sdelay $0x1  }
0x12c: {  	s18 =	sshrl.u32 s18, $0x3  }
0x12d: {  	s18 =	sadd.s32 s2, s18;
	[tilespmem:v2+s10+$0x0] =	vst.idx.msk $0x3, v1  }
0x12e: {  	[hbm4b:s18+s4] =	stream.linear.scatter [tilespmem:s10], [sflag:$0xE], $0xC80, $0x38;
	[tilespmem:$0x1C800] =	vst v63  }
.LBB2_26:
0x12f: {  	p1 =	sne.s32 @!p0 s17, $0x5  }
0x130: {  	p2 =	por p1, p0  }
0x131: {  	p3 =	seq.s32 @!p2 s8, $0x0  }
0x132: {  	p1 =	por @!p0 p3, p1  }
0x133: {  	p1 =	por p1, p0  }
0x134: {  	s18 =	simm.s32 @!p1 $0xE  }
0x135: {  	_ =	swait.ge @!p1 [sflag:s18], $0xC80  }
0x136: {  	[sflag:s18] =	ssyncset.done @!p1 $0x0  }
0x137: {  	[sflag:s18] =	ssyncadd.s32 @!p1 $0xFFFFF380;
	p1 =	sne.s32 s16, $0x6  }
.Ltmp16:
0x138: {  	_ = 	snop;
	(pc) =	sbr.rel @p1 .LBB2_30-.Ltmp16, $4  }
0x139: {  	_ = 	snop  }
0x13a: {  	s18 =	sshll.u32 @!p2 s15, $0x6  }
0x13b: {  	s19 =	simm.s32 @!p2 $0x40;
	s20 =	simm.s32 @!p2 $0x10400;
	s18 =	sand.u32 @!p2 $0x3FFFFFC0, s18  }
0x13c: {  	[tilespmem:s20], [sflag:$0x6] =	stream.indirect.gather @!p2 [hbm4b:s5+s19], $0x80, s18, s19, $0xb8;
	[tilespmem:$0x1C800] =	vst v63  }
0x13d: {  	_ =	swait.ge [sflag:s11], $0x2000  }
0x13e: {  	s18 =	simm.s32 $0x30;
	s19 =	simm.s32 $0x12400;
	[sflag:s11] =	ssyncset.done $0x0  }
0x13f: {  	s21 =	simm.s32 $0x0;
	s20 =	simm.s32 $0x62;
	[sflag:s11] =	ssyncadd.s32 $0xFFFFE000  }
.LBB2_28:
0x140: {  	p1 =	sne.s32 s20, $0xC7E;
	v1 =	vld [tilespmem:s19+$0x0];
	v2 =	vadd.s32 s21, v0;
	_ =	sdelay $0x4  }
0x141: {  	s21 =	sadd.s32 $0xFFFFFFE0, s18;
	[tilespmem:v2+s12+$0x0] =	vst.idx.msk $0xffff, v1  }
0x142: {  	v2 =	vadd.s32 s21, v0;
	v1 =	vld [tilespmem:s19+$0x10];
	_ =	sdelay $0x4  }
0x143: {  	s21 =	sadd.s32 $0xFFFFFFF0, s18;
	[tilespmem:v2+s12+$0x0] =	vst.idx.msk $0xffff, v1  }
0x144: {  	v2 =	vadd.s32 s21, v0;
	v1 =	vld [tilespmem:s19+$0x20];
	_ =	sdelay $0x4  }
0x145: {  	[tilespmem:v2+s12+$0x0] =	vst.idx.msk $0xffff, v1  }
0x146: {  	v2 =	vadd.s32 s18, v0;
	s18 =	smov.u32 s20;
	v1 =	vld [tilespmem:s19+$0x30]  }
.Ltmp17:
0x147: {  	(pc) =	sbr.rel @p1 .LBB2_28-.Ltmp17, $2  }
0x148: {  	_ =	sdelay $0x2  }
0x149: {  	s20 =	sadd.s32 $0x32, s20;
	s21 =	sadd.s32 $0xFFFFFFD0, s18;
	s19 =	sadd.s32 $0x80, s19;
	[tilespmem:v2+s12+$0x0] =	vst.idx.msk $0x3, v1  }
0x14a: {  	v1 =	vld [tilespmem:s19+$0x0];
	v2 =	vadd.s32 s21, v0;
	_ =	sdelay $0x4  }
0x14b: {  	s20 =	sadd.s32 $0xFFFFFFE0, s18;
	[tilespmem:v2+s12+$0x0] =	vst.idx.msk $0xffff, v1  }
0x14c: {  	v2 =	vadd.s32 s20, v0;
	v1 =	vld [tilespmem:s19+$0x10];
	_ =	sdelay $0x4  }
0x14d: {  	s21 =	sadd.s32 $0xFFFFFFF0, s18;
	[tilespmem:v2+s12+$0x0] =	vst.idx.msk $0xffff, v1  }
0x14e: {  	v2 =	vadd.s32 s21, v0;
	v1 =	vld [tilespmem:s19+$0x20];
	_ =	sdelay $0x4  }
0x14f: {  	[tilespmem:v2+s12+$0x0] =	vst.idx.msk $0xffff, v1  }
0x150: {  	s21 =	sshll.u32 s8, $0x6;
	v2 =	vadd.s32 s18, v0;
	v1 =	vld [tilespmem:s19+$0x30]  }
0x151: {  	s18 =	sadd.s32 s3, s21  }
0x152: {  	s18 =	smul.u32 $0x32, s18;
	_ =	sdelay $0x1  }
0x153: {  	s18 =	sshrl.u32 s18, $0x3  }
0x154: {  	s18 =	sadd.s32 s2, s18;
	[tilespmem:v2+s12+$0x0] =	vst.idx.msk $0x3, v1  }
0x155: {  	[hbm4b:s18+s4] =	stream.linear.scatter [tilespmem:s12], [sflag:$0xF], $0xC80, $0x38;
	[tilespmem:$0x1C800] =	vst v63  }
.LBB2_30:
0x156: {  	p1 =	sne.s32 @!p0 s17, $0x6  }
0x157: {  	p2 =	por p1, p0  }
0x158: {  	p3 =	seq.s32 @!p2 s8, $0x0  }
0x159: {  	p1 =	por @!p0 p3, p1  }
0x15a: {  	p1 =	por p1, p0  }
0x15b: {  	s18 =	simm.s32 @!p1 $0xF  }
0x15c: {  	_ =	swait.ge @!p1 [sflag:s18], $0xC80  }
0x15d: {  	[sflag:s18] =	ssyncset.done @!p1 $0x0  }
0x15e: {  	[sflag:s18] =	ssyncadd.s32 @!p1 $0xFFFFF380;
	p1 =	sne.s32 s16, $0x7  }
.Ltmp18:
0x15f: {  	_ = 	snop;
	(pc) =	sbr.rel @p1 .LBB2_34-.Ltmp18, $4  }
0x160: {  	_ = 	snop  }
0x161: {  	s18 =	sshll.u32 @!p2 s15, $0x6  }
0x162: {  	s19 =	simm.s32 @!p2 $0x40;
	s20 =	simm.s32 @!p2 $0x12400;
	s18 =	sand.u32 @!p2 $0x3FFFFFC0, s18  }
0x163: {  	[tilespmem:s20], [sflag:$0x7] =	stream.indirect.gather @!p2 [hbm4b:s5+s19], $0x80, s18, s19, $0xb8;
	[tilespmem:$0x1C800] =	vst v63  }
0x164: {  	_ =	swait.ge [sflag:s13], $0x2000  }
0x165: {  	s16 =	simm.s32 $0x30;
	s18 =	simm.s32 $0x14400;
	[sflag:s13] =	ssyncset.done $0x0  }
0x166: {  	s20 =	simm.s32 $0x0;
	s19 =	simm.s32 $0x62;
	[sflag:s13] =	ssyncadd.s32 $0xFFFFE000  }
.LBB2_32:
0x167: {  	p1 =	sne.s32 s19, $0xC7E;
	v1 =	vld [tilespmem:s18+$0x0];
	v2 =	vadd.s32 s20, v0;
	_ =	sdelay $0x4  }
0x168: {  	s20 =	sadd.s32 $0xFFFFFFE0, s16;
	[tilespmem:v2+s14+$0x0] =	vst.idx.msk $0xffff, v1  }
0x169: {  	v2 =	vadd.s32 s20, v0;
	v1 =	vld [tilespmem:s18+$0x10];
	_ =	sdelay $0x4  }
0x16a: {  	s20 =	sadd.s32 $0xFFFFFFF0, s16;
	[tilespmem:v2+s14+$0x0] =	vst.idx.msk $0xffff, v1  }
0x16b: {  	v2 =	vadd.s32 s20, v0;
	v1 =	vld [tilespmem:s18+$0x20];
	_ =	sdelay $0x4  }
0x16c: {  	[tilespmem:v2+s14+$0x0] =	vst.idx.msk $0xffff, v1  }
0x16d: {  	v2 =	vadd.s32 s16, v0;
	s16 =	smov.u32 s19;
	v1 =	vld [tilespmem:s18+$0x30]  }
.Ltmp19:
0x16e: {  	(pc) =	sbr.rel @p1 .LBB2_32-.Ltmp19, $2  }
0x16f: {  	_ =	sdelay $0x2  }
0x170: {  	s19 =	sadd.s32 $0x32, s19;
	s20 =	sadd.s32 $0xFFFFFFD0, s16;
	s18 =	sadd.s32 $0x80, s18;
	[tilespmem:v2+s14+$0x0] =	vst.idx.msk $0x3, v1  }
0x171: {  	v1 =	vld [tilespmem:s18+$0x0];
	v2 =	vadd.s32 s20, v0;
	_ =	sdelay $0x4  }
0x172: {  	s19 =	sadd.s32 $0xFFFFFFE0, s16;
	[tilespmem:v2+s14+$0x0] =	vst.idx.msk $0xffff, v1  }
0x173: {  	v2 =	vadd.s32 s19, v0;
	v1 =	vld [tilespmem:s18+$0x10];
	_ =	sdelay $0x4  }
0x174: {  	s20 =	sadd.s32 $0xFFFFFFF0, s16;
	[tilespmem:v2+s14+$0x0] =	vst.idx.msk $0xffff, v1  }
0x175: {  	v2 =	vadd.s32 s20, v0;
	v1 =	vld [tilespmem:s18+$0x20];
	_ =	sdelay $0x4  }
0x176: {  	s21 =	sshll.u32 s8, $0x6;
	[tilespmem:v2+s14+$0x0] =	vst.idx.msk $0xffff, v1  }
0x177: {  	v2 =	vadd.s32 s16, v0;
	s16 =	sadd.s32 s3, s21;
	v1 =	vld [tilespmem:s18+$0x30]  }
0x178: {  	s16 =	smul.u32 $0x32, s16  }
.Ltmp20:
0x179: {  	_ = 	snop;
	(pc) =	sbr.rel .LBB2_34-.Ltmp20, $4  }
0x17a: {  	_ = 	snop  }
0x17b: {  	s16 =	sshrl.u32 s16, $0x3  }
0x17c: {  	s16 =	sadd.s32 s2, s16;
	[tilespmem:v2+s14+$0x0] =	vst.idx.msk $0x3, v1  }
0x17d: {  	[hbm4b:s16+s4] =	stream.linear.scatter [tilespmem:s14], [sflag:$0x10], $0xC80, $0x38;
	[tilespmem:$0x1C800] =	vst v63  }
.LBB2_36:
0x17e: {  	_ =	sfence.sel $0x180000  }
0x17f: {  	[bflag:$0x0] =	sbarrier.arrive $0xFFFF  }
0x180: {  	_ =	strace $0x90000047  }
0x181: {  	s0 =	stileid.u32;
	[bflag:$0x2] =	sbarrier.arrive $0xFFFF  }
0x182: {  	p0 =	sne.s32 s0, $0x0;
	s0 =	rddreg [dreg:$0x2]  }
0x183: {  	s0 =	sadd.s32 @!p0 $0x100000, s0  }
0x184: {  	[sflag:s0] =	ssyncadd.tile.s32 @!p0 $0x1;
	_ =	shalt  }
.Lfunc_end2:
_tile_overlayer_lowered:
.L_overlay_start_2:
0x185: {  	(tag) =	ssettag $0x2  }
0x186: {  	s0 =	rddreg [dreg:$0x0];
	s2 =	stileid.u32  }
0x187: {  	s1 =	rddreg [dreg:$0x1];
	p0 =	sne.s32 s2, $0x0  }
0x188: {  	s3 =	rddreg [dreg:$0x2];
	[bflag:$0x3] =	sbarrier.arrive $0xFFFF;
	s2 =	simm.s32 @!p0 $0x1C11  }
0x189: {  	[timem:s3], [sflag:s2] =	dma.local @!p0 [hbm:s0], s1  }
0x18a: {  	s0 =	simm.s32 @!p0 $0x11  }
0x18b: {  	_ =	swait.ge @!p0 [sflag:s0], s1  }
0x18c: {  	s1 =	ssub.s32 @!p0 $0x0, s1;
	[sflag:s0] =	ssyncset.done @!p0 $0x0  }
0x18d: {  	[sflag:s0] =	ssyncadd.s32 @!p0 s1  }
0x18e: {  	[bflag:$0x3] =	sbarrier.arrive $0xFFFF  }
0x18f: {  	_ =	shalt  }

// kernel: sparse-core-data-format-call.cloned.1.call-start
scs
called_computation_lowered:
.L_overlay_start_0:
0x0: {  	s2 =	sld [smem:$0x3FD9]  }
0x1: {  	s3 =	sld [smem:$0x3FFE];
	_ =	sdelay $0x1  }
0x2: {  	s1 =	srdreg.scid  }
0x3: {  	s0 =	sand.u32 $0x1, s1  }
0x4: {  	s18 =	sshll.u32 s0, $0xA;
	s2 =	sadd.s32 s3, s2  }
0x5: {  	s2 =	sadd.s32 s2, s18  }
0x6: {  	[smem:$0x3FC6] =	sst s2  }
0x7: {  	_ = 	snop  }
0x8: {  	s2 =	sld [smem:$0x3FD0];
	(tm) =	ssettm $0x1  }
0x9: {  	s19 =	sld [smem:$0x3FFB];
	_ =	sdelay $0x3  }
0xa: {  	_ =	strace s19  }
0xb: {  	s3 =	sld [smem:$0x3FFC];
	_ =	sdelay $0x3  }
0xc: {  	_ =	strace s3  }
0xd: {  	s3 =	sld [smem:$0x3FFD];
	_ =	sdelay $0x3  }
0xe: {  	_ =	strace s3  }
0xf: {  	_ =	strace $0x8FFFFFFF  }
0x10: {  	s20 =	sld [smem:$0x3FDB];
	_ =	sdelay $0x1  }
0x11: {  	s4 =	simm.s32 $_scs_section_size  }
0x12: {  	s5 =	simm.s32 $_size__tile_overlayer_lowered;
	s6 =	simm.s32 $_tile_overlayer_lowered  }
0x13: {  	s23 =	simm.s32 $0x1BFF;
	s22 =	sshll.u32 s6, $0x1;
	s3 =	sadd.s32 s4, s20  }
0x14: {  	s7 =	simm.s32 $0x0;
	s21 =	sshll.u32 s5, $0x1;
	s5 =	sadd.s32 s22, s3  }
0x15: {  	[timem:s7], [sflag:s23] =	dma.local [hbm:s5], s21  }
0x16: {  	_ =	swait.ge [sflag:s23], s21  }
0x17: {  	s4 =	ssub.s32 $0x0, s21;
	[sflag:s23] =	ssyncset.done $0x0  }
0x18: {  	[sflag:s23] =	ssyncadd.s32 s4;
	_ =	sdelay $0x1  }
0x19: {  	s24 =	simm.s32 $0x1B8B  }
0x1a: {  	_ =	swait.ge [sflag:s24], $0x1  }
0x1b: {  	[sflag:s24] =	ssyncset.done $0x0  }
0x1c: {  	s26 =	simm.s32 $0x1B8E;
	s25 =	sld [smem:$0x3FFE];
	[sflag:s24] =	ssyncadd.s32 $0xFFFFFFFF  }
0x1d: {  	s27 =	simm.s32 $execute0_lowered;
	[smem:$0x3FD2] =	sst s26  }
0x1e: {  	s5 =	sshll.u32 s27, $0x1;
	_ =	strace $0x80000049;
	[dreg:$0x1] =	wrdreg $0xFFFFFFFF  }
0x1f: {  	s28 =	simm.s32 $_size_execute0_lowered;
	s3 =	sadd.s32 s3, s5;
	[dreg:$0x0] =	wrdreg $0x0  }
0x20: {  	s5 =	sshll.u32 s28, $0x1;
	[dreg:$0x2] =	wrdreg s3  }
0x21: {  	[dreg:$0x3] =	wrdreg s5  }
0x22: {  	[dreg:$0x4] =	wrdreg $0xC0  }
0x23: {  	_ =	task [dreg:s7], $0x5FFFF  }
0x24: {  	[dreg:$0x1] =	wrdreg $0xFFFFFFFF  }
0x25: {  	[dreg:$0x0] =	wrdreg $0x60  }
0x26: {  	[dreg:$0x2] =	wrdreg s25  }
0x27: {  	[dreg:$0x3] =	wrdreg s2  }
0x28: {  	[dreg:$0x4] =	wrdreg $0x9  }
0x29: {  	_ =	task.clear_ibuf [dreg:s7], $0x5FFFF;
	_ =	strace $0x90000049  }
0x2a: {  	s29 =	simm.s32 $0x9;
	_ =	strace $0x8000004B  }
0x2b: {  	_ =	swait.ge [sflag:s29], $0x1  }
0x2c: {  	[sflag:s29] =	ssyncadd.s32 $0xFFFFFFFF  }
0x2d: {  	_ =	strace $0x9000004B  }
0x2e: {  	_ =	sfence  }
0x2f: {  	s30 =	sld [smem:$0x0];
	_ =	sdelay $0x2  }
0x30: {  	s31 =	sshll.u32 s1, $0xD;
	s1 =	sshrl.u32 s1, $0x2  }
0x31: {  	s3 =	sand.u32 $0x4000, s31;
	s1 =	sadd.s32 s1, s30  }
0x32: {  	s0 =	sor.u32 s3, s0;
	s1 =	sshll.u32 s1, $0x11  }
0x33: {  	s0 =	sor.u32 s1, s0  }
0x34: {  	s0 =	sadd.s32 $0x8F2B, s0  }
0x35: {  	[sflag:s0] =	ssyncadd.remote.s32 $0x1  }
0x36: {  	_ =	sfence.sel $0xFFFF  }
0x37: {  	[dreg:$0x0] =	wrdreg $0xFFFFFFFF;
	(pc) =	sbr.abs _section_cstart, $3  }
0x38: {  	[dreg:$0x1] =	wrdreg $0xFFFFFFFF  }
0x39: {  	_ =	task.clear_ibuf [dreg:s7], $0x2FFFF;
	_ =	strace $0x9FFFFFFF  }
0x3a: {  	(tm) =	ssettm $0x7FFFFFFF  }
0x3b: {  	_ =	shalt  }
tec
execute0_lowered:
.L_overlay_start_1:
0x0: {  	(tag) =	ssettag $0x1  }
0x1: {  	s0 =	srdreg.scid  }
0x2: {  	s1 =	sshll.u32 s0, $0x4  }
0x3: {  	s6 =	rddreg [dreg:$0x0];
	s0 =	stileid.u32;
	s1 =	sand.u32 $0x10, s1  }
0x4: {  	s3 =	rddreg [dreg:$0x1];
	s1 =	sor.u32 s0, s1  }
0x5: {  	s5 =	simm.s32 $0x1;
	s31 =	simm.s32 $0x2;
	s2 =	sshll.u32 s1, $0x7  }
0x6: {  	s15 =	simm.s32 $0x0;
	s8 =	simm.s32 $0xC8000;
	s4 =	ssub.s32 $0x1000, s2  }
0x7: {  	s14 =	simm.s32 $0x0;
	s9 =	simm.s32 $0x0;
	s30 =	sand.u32 $0xF80, s4  }
0x8: {  	s10 =	simm.s32 $0x0;
	s11 =	simm.s32 $0x0;
	p0 =	sne.s32 s30, $0x0  }
.Ltmp0:
0x9: {  	s7 =	sshrl.u32 s4, $0xC;
	s5 =	simm.s32 @!p0 $0x0;
	(pc) =	sbr.rel .LBB1_1-.Ltmp0, $4  }
0xa: {  	s13 =	simm.s32 $0x0;
	s1 =	rddreg [dreg:$0x2];
	s5 =	sadd.s32 s5, s7  }
0xb: {  	_ =	strace $0x8000004A;
	s4 =	simm.s32 $0x1;
	s5 =	smul.u32 $0xC8, s5  }
0xc: {  	s6 =	sadd.s32 $0x800, s6;
	s12 =	smov.u32 s2;
	[sflag:s4] =	ssyncpa.u1 $0x0  }
0xd: {  	[sflag:s31] =	ssyncpa.u1 $0x0;
	p0 =	por $0x0, $0x0;
	s7 =	sor.u32 $0x1, s5  }
.LBB1_4:
0xe: {  	s18 =	sshll.u32 s9, $0xC;
	s19 =	sand.u32 $0x78, s10;
	s20 =	sshll.u32 s10, $0x3  }
0xf: {  	s22 =	sshll.u32 s9, $0x7;
	p1 =	sgt.s32 s9, $0xC7;
	s25 =	sshra.s32 s9, $0x1F  }
0x10: {  	s23 =	smov.u32 s10;
	s24 =	sshra.s32 s10, $0x1F;
	s29 =	sand.u32 $0x7, s10  }
0x11: {  	s18 =	sand.u32 $0xFFFF8000, s18;
	s21 =	sand.u32 $0xFFFFFC00, s20;
	s20 =	sand.u32 $0xC00, s20  }
0x12: {  	s30 =	sand.u32 $0x380, s22;
	s22 =	sand.u32 s25, s9;
	s18 =	sadd.s32 s21, s18  }
0x13: {  	s19 =	sor.u32 s19, s20;
	s20 =	smov.u32 s9;
	s18 =	sshrl.u32 s18, $0xC  }
0x14: {  	s20 =	simm.s32 @!p1 $0xC7;
	p1 =	sgt.s32 s10, $0xF80;
	s31 =	smulhi.u32 $0x147AE15, s18  }
0x15: {  	s26 =	sand.u32 s24, s10;
	s20 =	ssub.s32 s20, s22;
	s23 =	simm.s32 @!p1 $0xF80  }
0x16: {  	s27 =	ssub.s32 $0xC8, s20;
	s22 =	ssub.s32 s23, s26;
	s21 =	smul.u32 $0xC8, s31  }
0x17: {  	s20 =	sadd.s32 $0xFFFFFF39, s20;
	s23 =	smul.u32 $0x32, s27;
	s28 =	sadd.s32 $0xFFFFF080, s22  }
0x18: {  	p1 =	sgt.s32 s20, $0x0;
	s20 =	ssub.s32 $0x1000, s22;
	p2 =	sgt.s32 s28, $0x7F  }
0x19: {  	s19 =	sor.u32 s30, s19;
	s23 =	simm.s32 @p1 $0x0;
	s20 =	simm.s32 @p2 $0x0  }
0x1a: {  	[tilespmem:s17+$0x810 ss:$0x81] =	vst.msk $0xffff, v2;
	s19 =	sshrl.u32 s19, $0x3;
	s18 =	ssub.s32 s18, s21;
	s20 =	smul.u32 s20, s23  }
0x1b: {  	[tilespmem:s17+$0x1020 ss:$0x81] =	vst.msk $0xffff, v0;
	s19 =	sadd.s32 s3, s19;
	s21 =	sshll.u32 s29, $0x12;
	s18 =	sshll.u32 s18, $0x9  }
0x1c: {  	[tilespmem:s17+$0x0 ss:$0x81] =	vst.msk $0xffff, v1;
	s31 =	sor.u32 $0x80, s21;
	s18 =	sadd.s32 s18, s19;
	s30 =	sand.u32 $0x3FFFFFFE, s20  }
0x1d: {  	[hbm4b:s18+s31] =	stream.strided.scatter [tilespmem:s16], [sflag:$0x2], s30, s8, s31, $0x20;
	[tilespmem:$0x8080] =	vst v63  }
.LBB1_5:
0x1e: {  	p1 =	slt.u32 s13, $0x2  }
0x1f: {  	s17 =	smov.u32 s15;
	p2 =	sgt.s32 @!p1 s15, $0xC7;
	s16 =	sshra.s32 @!p1 s15, $0x1F  }
0x20: {  	p3 =	sgt.s32 @!p1 s14, $0xF80;
	s18 =	sshra.s32 @!p1 s14, $0x1F;
	p2 =	por !p2, p1  }
0x21: {  	s15 =	sand.u32 @!p1 s16, s15;
	p3 =	por !p3, p1;
	s16 =	smov.u32 s14  }
0x22: {  	s14 =	sand.u32 @!p1 s18, s14;
	s17 =	simm.s32 @p2 $0xC7;
	s16 =	simm.s32 @p3 $0xF80  }
0x23: {  	s18 =	smov.u32 s12;
	s15 =	ssub.s32 @!p1 s17, s15;
	s14 =	ssub.s32 @!p1 s16, s14  }
0x24: {  	s16 =	sadd.s32 @!p1 $0xFFFFFF39, s15;
	s15 =	ssub.s32 @!p1 $0xC8, s15;
	s17 =	sadd.s32 @!p1 $0xFFFFF080, s14  }
0x25: {  	p2 =	sgt.s32 @!p1 s16, $0x0;
	s15 =	smul.u32 @!p1 $0x32, s15;
	p3 =	sgt.s32 @!p1 s17, $0x7F  }
0x26: {  	s14 =	ssub.s32 @!p1 $0x1000, s14;
	p2 =	por !p2, p1;
	p3 =	por !p3, p1  }
0x27: {  	s16 =	sadd.s32 $0x1, s11;
	s15 =	simm.s32 @!p2 $0x0;
	s14 =	simm.s32 @!p3 $0x0  }
0x28: {  	p2 =	sgt.s32 s16, $0xC7;
	s14 =	smul.u32 @!p1 s14, s15;
	s15 =	sadd.s32 $0x1000, s12  }
0x29: {  	s18 =	smov.u32 @p2 s15  }
0x2a: {  	s16 =	simm.s32 @p2 $0x0;
	p2 =	sgt.s32 s18, $0xFFF  }
0x2b: {  	s18 =	smov.u32 @p2 s2;
	p2 =	sne.s32 s13, s7  }
.Ltmp1:
0x2c: {  	p0 =	por !p0, !p0;
	s17 =	simm.s32 @!p1 $0x2;
	(pc) =	sbr.rel @!p2 .LBB1_6-.Ltmp1, $4  }
0x2d: {  	s15 =	smov.u32 s9;
	s9 =	smov.u32 s11;
	s14 =	sand.u32 @!p1 $0x3FFFFFFE, s14  }
0x2e: {  	s11 =	smov.u32 s16;
	_ =	swait.ge @!p1 [sflag:s17], s14;
	s19 =	ssub.s32 @!p1 $0x0, s14  }
0x2f: {  	s14 =	smov.u32 s10;
	s13 =	sadd.s32 $0x1, s13;
	[sflag:s17] =	ssyncset.done @!p1 $0x0  }
0x30: {  	s10 =	smov.u32 s12;
	s12 =	smov.u32 s18;
	[sflag:s17] =	ssyncadd.s32 @!p1 s19  }
.LBB1_1:
0x31: {  	p1 =	sge.u32 s13, s5  }
0x32: {  	s16 =	sand.u32 @!p1 $0x1FFFFFF, s11  }
0x33: {  	s17 =	smulhi.u32 @!p1 $0x147AE15, s16;
	_ =	sdelay $0x1  }
0x34: {  	s17 =	smul.u32 @!p1 $0xC8, s17  }
0x35: {  	s18 =	sxor.u32 @!p1 $0xFFFFFFFF, s13;
	s19 =	smul.u32 @!p1 $0xC80, s12  }
0x36: {  	s31 =	sadd.s32 $0xFFFFFFFF, s13;
	s18 =	sshll.u32 @!p1 s18, $0xD;
	s16 =	ssub.s32 @!p1 s16, s17  }
0x37: {  	s17 =	sand.u32 @!p1 $0x2000, s18;
	s18 =	sadd.s32 @!p1 s6, s19;
	s16 =	sshll.u32 @!p1 s16, $0x4  }
0x38: {  	s19 =	simm.s32 @!p1 $0x6400;
	s16 =	sadd.s32 @!p1 s16, s18;
	s18 =	simm.s32 @!p1 $0x40  }
0x39: {  	[tilespmem:s17], [sflag:$0x1] =	stream.strided.gather @!p1 [hbm4b:s16+s18], $0x2000, s19, s18, $0x38;
	[tilespmem:$0x8080] =	vst v63  }
0x3a: {  	p1 =	sge.u32 s31, s5  }
.Ltmp2:
0x3b: {  	_ = 	snop;
	(pc) =	sbr.rel @p1 .LBB1_5-.Ltmp2, $1  }
0x3c: {  	_ =	sdelay $0x3  }
0x3d: {  	s16 =	simm.s32 $0x1  }
0x3e: {  	_ =	swait.ge [sflag:s4], $0x2000;
	s16 =	simm.s32 @!p0 $0x0  }
0x3f: {  	[sflag:s4] =	ssyncset.done $0x0;
	s17 =	sshll.u32 s16, $0xD  }
0x40: {  	[sflag:s4] =	ssyncadd.s32 $0xFFFFE000;
	s20 =	sor.u32 $0x20, s17  }
0x41: {  	s16 =	smul.u32 $0x8100, s16;
	v3 =	vld [tilespmem:s20+$0x10]  }
0x42: {  	s30 =	sand.u32 $0x1, s13;
	v2 =	vld [tilespmem:s20+$0xFFFFFFF0]  }
0x43: {  	s17 =	smul.u32 $0x8100, s30;
	s16 =	sshrl.u32 s16, $0x2;
	v0 =	vld [tilespmem:s20+$0x0]  }
0x44: {  	v1 =	vld [tilespmem:s20+$0xFFFFFFE0];
	s18 =	sor.u32 $0x4000, s16  }
0x45: {  	s31 =	sshrl.u32 s17, $0x2;
	s17 =	sadd.s32 $0x0, s18  }
0x46: {  	s19 =	simm.s32 $0x4;
	s20 =	sadd.s32 $0x40, s20;
	s16 =	sor.u32 $0x4000, s31;
	[tilespmem:s17+$0x1830 ss:$0x81] =	vst.msk $0xffff, v3  }
.LBB1_3:
0x47: {  	v3 =	vld [tilespmem:s20+$0x10];
	p1 =	sne.s32 s19, $0x1FC;
	[tilespmem:s17+$0x810 ss:$0x81] =	vst.msk $0xffff, v2;
	s21 =	smov.u32 s19;
	s19 =	sadd.s32 $0x4, s19  }
.Ltmp3:
0x48: {  	v2 =	vld [tilespmem:s20+$0xFFFFFFF0];
	[tilespmem:s17+$0x1020 ss:$0x81] =	vst.msk $0xffff, v0;
	(pc) =	sbr.rel @p1 .LBB1_3-.Ltmp3, $4  }
0x49: {  	v0 =	vld [tilespmem:s20+$0x0];
	[tilespmem:s17+$0x0 ss:$0x81] =	vst.msk $0xffff, v1  }
0x4a: {  	s17 =	sshra.s32 s21, $0x2;
	v1 =	vld [tilespmem:s20+$0xFFFFFFE0]  }
0x4b: {  	s17 =	sadd.s32 s17, s18  }
0x4c: {  	s20 =	sadd.s32 $0x40, s20;
	[tilespmem:s17+$0x1830 ss:$0x81] =	vst.msk $0xffff, v3  }
.Ltmp4:
0x4d: {  	_ = 	snop;
	(pc) =	sbr.rel .LBB1_4-.Ltmp4, $1  }
0x4e: {  	_ =	sdelay $0x3  }
.LBB1_6:
0x4f: {  	_ =	sfence.sel $0x180000  }
0x50: {  	s2 =	simm.s32 $0x1;
	[bflag:$0x0] =	sbarrier.arrive $0xFFFF  }
0x51: {  	s31 =	simm.s32 $0x2;
	[sflag:s2] =	ssyncpa.u1 $0x1  }
0x52: {  	[sflag:s31] =	ssyncpa.u1 $0x1  }
0x53: {  	p0 =	sne.s32 s0, $0x0;
	_ =	strace $0x9000004A  }
0x54: {  	s0 =	sadd.s32 @!p0 $0x100000, s1;
	[bflag:$0x2] =	sbarrier.arrive $0xFFFF  }
0x55: {  	[sflag:s0] =	ssyncadd.tile.s32 @!p0 $0x1;
	_ =	shalt  }
.Lfunc_end1:
_tile_overlayer_lowered:
.L_overlay_start_2:
0x56: {  	(tag) =	ssettag $0x2  }
0x57: {  	s0 =	rddreg [dreg:$0x0];
	s2 =	stileid.u32  }
0x58: {  	s1 =	rddreg [dreg:$0x1];
	p0 =	sne.s32 s2, $0x0  }
0x59: {  	s3 =	rddreg [dreg:$0x2];
	[bflag:$0x3] =	sbarrier.arrive $0xFFFF;
	s2 =	simm.s32 @!p0 $0x1C01  }
0x5a: {  	[timem:s3], [sflag:s2] =	dma.local @!p0 [hbm:s0], s1  }
0x5b: {  	s0 =	simm.s32 @!p0 $0x1  }
0x5c: {  	_ =	swait.ge @!p0 [sflag:s0], s1  }
0x5d: {  	s1 =	ssub.s32 @!p0 $0x0, s1;
	[sflag:s0] =	ssyncset.done @!p0 $0x0  }
0x5e: {  	[sflag:s0] =	ssyncadd.s32 @!p0 s1  }
0x5f: {  	[bflag:$0x3] =	sbarrier.arrive $0xFFFF  }
0x60: {  	_ =	shalt  }

</sc_bundles>
